<compile_context>
chip_gen: v7x
topology: tpu7x:2x2x1
jax: 0.10.2.dev20260603
libtpu: 0.0.44.dev20260713+nightly
codegen_flags: <defaults>
</compile_context>

<pallas_src>
import jax
import jax.numpy as jnp
from jax import lax
from jax.experimental import pallas as pl
from jax.experimental.pallas import tpu as pltpu
from jax.experimental.pallas import tpu_sc as plsc
import functools

NC = 2
NS = 16
NW = NC * NS
L = 16

DIM = 32
CHUNK = 128


def _bpr_body(nchunks, u_hbm, i_hbm, j_hbm, ut_hbm, it_hbm,
              pos_hbm, neg_hbm,
              uidx_v, iidx_v, jidx_v, urows_v, irows_v, jrows_v,
              pos_v, neg_v, sem):
    b_per_w = nchunks * CHUNK
    wid = lax.axis_index("s") * NC + lax.axis_index("c")
    base = wid * b_per_w

    for c in range(nchunks):
        pltpu.sync_copy(u_hbm.at[pl.ds(base + c * CHUNK, CHUNK)], uidx_v.at[c])
        pltpu.sync_copy(i_hbm.at[pl.ds(base + c * CHUNK, CHUNK)], iidx_v.at[c])
        pltpu.sync_copy(j_hbm.at[pl.ds(base + c * CHUNK, CHUNK)], jidx_v.at[c])

    copies = []
    for c in range(nchunks):
        sl = pl.ds(c * CHUNK, CHUNK)
        copies.append(pltpu.async_copy(ut_hbm.at[uidx_v.at[c]], urows_v.at[sl], sem))
        copies.append(pltpu.async_copy(it_hbm.at[iidx_v.at[c]], irows_v.at[sl], sem))
        copies.append(pltpu.async_copy(it_hbm.at[jidx_v.at[c]], jrows_v.at[sl], sem))
    for cp in copies:
        cp.wait()

    iota = lax.iota(jnp.int32, L)

    def group_body(g, _):
        ridx = g * L + iota
        pos = jnp.zeros((L,), jnp.float32)
        neg = jnp.zeros((L,), jnp.float32)
        for d in range(DIM):
            didx = jnp.full((L,), d, jnp.int32)
            ud = plsc.load_gather(urows_v, [ridx, didx])
            vd = plsc.load_gather(irows_v, [ridx, didx])
            wd = plsc.load_gather(jrows_v, [ridx, didx])
            pos = pos + ud * vd
            neg = neg + ud * wd
        pos_v[pl.ds(g * L, L)] = pos
        neg_v[pl.ds(g * L, L)] = neg
        return 0

    lax.fori_loop(0, b_per_w // L, group_body, 0)

    pltpu.sync_copy(pos_v, pos_hbm.at[pl.ds(base, b_per_w)])
    pltpu.sync_copy(neg_v, neg_hbm.at[pl.ds(base, b_per_w)])


def kernel(u, i, j, user_table, item_table):
    batch = u.shape[0]
    assert batch % (NW * CHUNK) == 0
    nchunks = batch // (NW * CHUNK)
    b_per_w = nchunks * CHUNK

    mesh = plsc.VectorSubcoreMesh(core_axis_name="c", subcore_axis_name="s",
                                  num_cores=NC, num_subcores=NS)
    f32 = jnp.float32
    run = pl.kernel(
        functools.partial(_bpr_body, nchunks),
        out_type=(jax.ShapeDtypeStruct((batch,), f32),
                  jax.ShapeDtypeStruct((batch,), f32)),
        mesh=mesh,
        compiler_params=pltpu.CompilerParams(needs_layout_passes=False,
                                             use_tc_tiling_on_sc=False),
        scratch_types=[
            pltpu.VMEM((nchunks, CHUNK), jnp.int32),
            pltpu.VMEM((nchunks, CHUNK), jnp.int32),
            pltpu.VMEM((nchunks, CHUNK), jnp.int32),
            pltpu.VMEM((b_per_w, DIM), f32),
            pltpu.VMEM((b_per_w, DIM), f32),
            pltpu.VMEM((b_per_w, DIM), f32),
            pltpu.VMEM((b_per_w,), f32),
            pltpu.VMEM((b_per_w,), f32),
            pltpu.SemaphoreType.DMA,
        ],
    )
    return run(u.astype(jnp.int32), i.astype(jnp.int32), j.astype(jnp.int32),
               user_table, item_table)

# --- scband reference (transcript-rebuilt; emitter-appended) ---
"""Pipeline reference for scband-bpr-23759759082167 (READ-ONLY COPY).

The authoritative reference and input builder live on the scoring server;
editing this copy changes nothing except your own understanding.
"""

import jax, jax.numpy as jnp
import numpy as np

USER_NUM = 1000000
ITEM_NUM = 1000000
DIM = 32
BATCH = 16384

def setup_inputs(seed: int = 0) -> dict:
    key = jax.random.key(seed)
    k1, k2, k3, k4, k5 = jax.random.split(key, 5)
    u = jax.random.randint(k1, (BATCH,), 0, USER_NUM, dtype=jnp.int64) if jax.config.jax_enable_x64 else jax.random.randint(k1, (BATCH,), 0, USER_NUM, dtype=jnp.int32)
    i = jax.random.randint(k2, (BATCH,), 0, ITEM_NUM, dtype=u.dtype)
    j = jax.random.randint(k3, (BATCH,), 0, ITEM_NUM, dtype=u.dtype)
    user_table = jax.random.normal(k4, (USER_NUM, DIM), dtype=jnp.float32) * 0.01
    item_table = jax.random.normal(k5, (ITEM_NUM, DIM), dtype=jnp.float32) * 0.01
    return {"u": u, "i": i, "j": j, "user_table": user_table, "item_table": item_table}

def reference(u, i, j, user_table, item_table):
    # embedding lookups (gathers)
    u_emb = jnp.take(user_table, u, axis=0)
    i_emb = jnp.take(item_table, i, axis=0)
    j_emb = jnp.take(item_table, j, axis=0)
    pos_score = jnp.sum(u_emb * i_emb, axis=-1)
    neg_score = jnp.sum(u_emb * j_emb, axis=-1)
    return (pos_score, neg_score)

if __name__ == "__main__":
    import jax
    _d = setup_inputs()
    print(jax.jit(kernel)(*tuple(_d.values())))

</pallas_src>

<mosaic_0001>
#map = affine_map<(d0, d1) -> (0)>
#map1 = affine_map<(d0, d1) -> (0, 0)>
module attributes {stable_mosaic.version = 14 : i64} {
  func.func @_bpr_body(%arg0: i32, %arg1: i32, %arg2: memref<16384xi32, #tpu.memory_space<hbm>>, %arg3: memref<16384xi32, #tpu.memory_space<hbm>>, %arg4: memref<16384xi32, #tpu.memory_space<hbm>>, %arg5: memref<1000000x32xf32, #tpu.memory_space<hbm>>, %arg6: memref<1000000x32xf32, #tpu.memory_space<hbm>>, %arg7: memref<16384xf32, #tpu.memory_space<hbm>>, %arg8: memref<16384xf32, #tpu.memory_space<hbm>>, %arg9: memref<4x128xi32, #tpu.memory_space<vmem>>, %arg10: memref<4x128xi32, #tpu.memory_space<vmem>>, %arg11: memref<4x128xi32, #tpu.memory_space<vmem>>, %arg12: memref<512x32xf32, #tpu.memory_space<vmem>>, %arg13: memref<512x32xf32, #tpu.memory_space<vmem>>, %arg14: memref<512x32xf32, #tpu.memory_space<vmem>>, %arg15: memref<512xf32, #tpu.memory_space<vmem>>, %arg16: memref<512xf32, #tpu.memory_space<vmem>>, %arg17: memref<!tpu.dma_semaphore, #tpu.memory_space<semaphore_mem>>) attributes {dimension_semantics = [#tpu.dimension_semantics<core_parallel>, #tpu.dimension_semantics<subcore_parallel>], iteration_bounds = array<i64: 2, 16>, scalar_prefetch = 0 : i64, scratch_operands = 9 : i64, tpu.core_type = #tpu.core_type<sc_vector_subcore>, window_params = [{transform_indices = #map}, {transform_indices = #map}, {transform_indices = #map}, {transform_indices = #map1}, {transform_indices = #map1}, {transform_indices = #map}, {transform_indices = #map}]} {
    %mul3A = arith.constant 2 : i32
    %mul3A_0 = arith.muli %arg1, %mul3A : i32
    %add3A = arith.addi %mul3A_0, %arg0 : i32
    %mul3A_1 = arith.constant 512 : i32
    %mul3A_2 = arith.muli %add3A, %mul3A_1 : i32
    %add3A_3 = arith.constant 0 : i32
    %add3A_4 = arith.addi %mul3A_2, %add3A_3 : i32
    %run_scoped3A = arith.constant 0 : i32
    "tpu.region"() ({
      %run_scoped3A_282 = tpu.sem_alloc : memref<!tpu.dma_semaphore, #tpu.memory_space<semaphore_mem>>
      %dma_start3A_283 = arith.constant 0 : i32
      %dma_start3A_284 = tpu.memref_slice %arg9[%run_scoped3A, %dma_start3A_283] : memref<4x128xi32, #tpu.memory_space<vmem>> -> memref<1x128xi32, #tpu.memory_space<vmem>>
      %dma_start3A_285 = tpu.memref_squeeze %dma_start3A_284 : memref<1x128xi32, #tpu.memory_space<vmem>> -> memref<128xi32, #tpu.memory_space<vmem>>
      %dma_start3A_286 = tpu.memref_slice %arg2[%add3A_4] : memref<16384xi32, #tpu.memory_space<hbm>> -> memref<128xi32, #tpu.memory_space<hbm>>
      %dma_start3A_287 = arith.constant 0 : i32
      %dma_start3A_288 = tpu.memref_slice %arg9[%run_scoped3A, %dma_start3A_287] : memref<4x128xi32, #tpu.memory_space<vmem>> -> memref<1x128xi32, #tpu.memory_space<vmem>>
      %dma_start3A_289 = tpu.memref_squeeze %dma_start3A_288 : memref<1x128xi32, #tpu.memory_space<vmem>> -> memref<128xi32, #tpu.memory_space<vmem>>
      %dma_start3A_290 = tpu.memref_slice %arg2[%add3A_4] : memref<16384xi32, #tpu.memory_space<hbm>> -> memref<128xi32, #tpu.memory_space<hbm>>
      tpu.enqueue_dma source(%dma_start3A_290 : memref<128xi32, #tpu.memory_space<hbm>>) target(%dma_start3A_289 : memref<128xi32, #tpu.memory_space<vmem>>) target_semaphore(%run_scoped3A_282 : memref<!tpu.dma_semaphore, #tpu.memory_space<semaphore_mem>>)
      %dma_wait3A_291 = arith.constant 0 : i32
      %dma_wait3A_292 = tpu.memref_slice %arg9[%run_scoped3A, %dma_wait3A_291] : memref<4x128xi32, #tpu.memory_space<vmem>> -> memref<1x128xi32, #tpu.memory_space<vmem>>
      %dma_wait3A_293 = tpu.memref_squeeze %dma_wait3A_292 : memref<1x128xi32, #tpu.memory_space<vmem>> -> memref<128xi32, #tpu.memory_space<vmem>>
      %dma_wait3A_294 = tpu.memref_slice %arg2[%add3A_4] : memref<16384xi32, #tpu.memory_space<hbm>> -> memref<128xi32, #tpu.memory_space<hbm>>
      %dma_wait3A_295 = arith.constant 0 : i32
      %dma_wait3A_296 = tpu.memref_slice %arg9[%run_scoped3A, %dma_wait3A_295] : memref<4x128xi32, #tpu.memory_space<vmem>> -> memref<1x128xi32, #tpu.memory_space<vmem>>
      %dma_wait3A_297 = tpu.memref_squeeze %dma_wait3A_296 : memref<1x128xi32, #tpu.memory_space<vmem>> -> memref<128xi32, #tpu.memory_space<vmem>>
      %dma_wait3A_298 = tpu.memref_slice %arg2[%add3A_4] : memref<16384xi32, #tpu.memory_space<hbm>> -> memref<128xi32, #tpu.memory_space<hbm>>
      tpu.wait_dma2 semaphore(%run_scoped3A_282 : memref<!tpu.dma_semaphore, #tpu.memory_space<semaphore_mem>>) src(%dma_wait3A_298 : memref<128xi32, #tpu.memory_space<hbm>>) dst(%dma_wait3A_297 : memref<128xi32, #tpu.memory_space<vmem>>)
      tpu.yield
    }) : () -> ()
    %add3A_5 = arith.constant 0 : i32
    %add3A_6 = arith.addi %mul3A_2, %add3A_5 : i32
    %run_scoped3A_7 = arith.constant 0 : i32
    "tpu.region"() ({
      %run_scoped3A_282 = tpu.sem_alloc : memref<!tpu.dma_semaphore, #tpu.memory_space<semaphore_mem>>
      %dma_start3A_283 = arith.constant 0 : i32
      %dma_start3A_284 = tpu.memref_slice %arg10[%run_scoped3A_7, %dma_start3A_283] : memref<4x128xi32, #tpu.memory_space<vmem>> -> memref<1x128xi32, #tpu.memory_space<vmem>>
      %dma_start3A_285 = tpu.memref_squeeze %dma_start3A_284 : memref<1x128xi32, #tpu.memory_space<vmem>> -> memref<128xi32, #tpu.memory_space<vmem>>
      %dma_start3A_286 = tpu.memref_slice %arg3[%add3A_6] : memref<16384xi32, #tpu.memory_space<hbm>> -> memref<128xi32, #tpu.memory_space<hbm>>
      %dma_start3A_287 = arith.constant 0 : i32
      %dma_start3A_288 = tpu.memref_slice %arg10[%run_scoped3A_7, %dma_start3A_287] : memref<4x128xi32, #tpu.memory_space<vmem>> -> memref<1x128xi32, #tpu.memory_space<vmem>>
      %dma_start3A_289 = tpu.memref_squeeze %dma_start3A_288 : memref<1x128xi32, #tpu.memory_space<vmem>> -> memref<128xi32, #tpu.memory_space<vmem>>
      %dma_start3A_290 = tpu.memref_slice %arg3[%add3A_6] : memref<16384xi32, #tpu.memory_space<hbm>> -> memref<128xi32, #tpu.memory_space<hbm>>
      tpu.enqueue_dma source(%dma_start3A_290 : memref<128xi32, #tpu.memory_space<hbm>>) target(%dma_start3A_289 : memref<128xi32, #tpu.memory_space<vmem>>) target_semaphore(%run_scoped3A_282 : memref<!tpu.dma_semaphore, #tpu.memory_space<semaphore_mem>>)
      %dma_wait3A_291 = arith.constant 0 : i32
      %dma_wait3A_292 = tpu.memref_slice %arg10[%run_scoped3A_7, %dma_wait3A_291] : memref<4x128xi32, #tpu.memory_space<vmem>> -> memref<1x128xi32, #tpu.memory_space<vmem>>
      %dma_wait3A_293 = tpu.memref_squeeze %dma_wait3A_292 : memref<1x128xi32, #tpu.memory_space<vmem>> -> memref<128xi32, #tpu.memory_space<vmem>>
      %dma_wait3A_294 = tpu.memref_slice %arg3[%add3A_6] : memref<16384xi32, #tpu.memory_space<hbm>> -> memref<128xi32, #tpu.memory_space<hbm>>
      %dma_wait3A_295 = arith.constant 0 : i32
      %dma_wait3A_296 = tpu.memref_slice %arg10[%run_scoped3A_7, %dma_wait3A_295] : memref<4x128xi32, #tpu.memory_space<vmem>> -> memref<1x128xi32, #tpu.memory_space<vmem>>
      %dma_wait3A_297 = tpu.memref_squeeze %dma_wait3A_296 : memref<1x128xi32, #tpu.memory_space<vmem>> -> memref<128xi32, #tpu.memory_space<vmem>>
      %dma_wait3A_298 = tpu.memref_slice %arg3[%add3A_6] : memref<16384xi32, #tpu.memory_space<hbm>> -> memref<128xi32, #tpu.memory_space<hbm>>
      tpu.wait_dma2 semaphore(%run_scoped3A_282 : memref<!tpu.dma_semaphore, #tpu.memory_space<semaphore_mem>>) src(%dma_wait3A_298 : memref<128xi32, #tpu.memory_space<hbm>>) dst(%dma_wait3A_297 : memref<128xi32, #tpu.memory_space<vmem>>)
      tpu.yield
    }) : () -> ()
    %add3A_8 = arith.constant 0 : i32
    %add3A_9 = arith.addi %mul3A_2, %add3A_8 : i32
    %run_scoped3A_10 = arith.constant 0 : i32
    "tpu.region"() ({
      %run_scoped3A_282 = tpu.sem_alloc : memref<!tpu.dma_semaphore, #tpu.memory_space<semaphore_mem>>
      %dma_start3A_283 = arith.constant 0 : i32
      %dma_start3A_284 = tpu.memref_slice %arg11[%run_scoped3A_10, %dma_start3A_283] : memref<4x128xi32, #tpu.memory_space<vmem>> -> memref<1x128xi32, #tpu.memory_space<vmem>>
      %dma_start3A_285 = tpu.memref_squeeze %dma_start3A_284 : memref<1x128xi32, #tpu.memory_space<vmem>> -> memref<128xi32, #tpu.memory_space<vmem>>
      %dma_start3A_286 = tpu.memref_slice %arg4[%add3A_9] : memref<16384xi32, #tpu.memory_space<hbm>> -> memref<128xi32, #tpu.memory_space<hbm>>
      %dma_start3A_287 = arith.constant 0 : i32
      %dma_start3A_288 = tpu.memref_slice %arg11[%run_scoped3A_10, %dma_start3A_287] : memref<4x128xi32, #tpu.memory_space<vmem>> -> memref<1x128xi32, #tpu.memory_space<vmem>>
      %dma_start3A_289 = tpu.memref_squeeze %dma_start3A_288 : memref<1x128xi32, #tpu.memory_space<vmem>> -> memref<128xi32, #tpu.memory_space<vmem>>
      %dma_start3A_290 = tpu.memref_slice %arg4[%add3A_9] : memref<16384xi32, #tpu.memory_space<hbm>> -> memref<128xi32, #tpu.memory_space<hbm>>
      tpu.enqueue_dma source(%dma_start3A_290 : memref<128xi32, #tpu.memory_space<hbm>>) target(%dma_start3A_289 : memref<128xi32, #tpu.memory_space<vmem>>) target_semaphore(%run_scoped3A_282 : memref<!tpu.dma_semaphore, #tpu.memory_space<semaphore_mem>>)
      %dma_wait3A_291 = arith.constant 0 : i32
      %dma_wait3A_292 = tpu.memref_slice %arg11[%run_scoped3A_10, %dma_wait3A_291] : memref<4x128xi32, #tpu.memory_space<vmem>> -> memref<1x128xi32, #tpu.memory_space<vmem>>
      %dma_wait3A_293 = tpu.memref_squeeze %dma_wait3A_292 : memref<1x128xi32, #tpu.memory_space<vmem>> -> memref<128xi32, #tpu.memory_space<vmem>>
      %dma_wait3A_294 = tpu.memref_slice %arg4[%add3A_9] : memref<16384xi32, #tpu.memory_space<hbm>> -> memref<128xi32, #tpu.memory_space<hbm>>
      %dma_wait3A_295 = arith.constant 0 : i32
      %dma_wait3A_296 = tpu.memref_slice %arg11[%run_scoped3A_10, %dma_wait3A_295] : memref<4x128xi32, #tpu.memory_space<vmem>> -> memref<1x128xi32, #tpu.memory_space<vmem>>
      %dma_wait3A_297 = tpu.memref_squeeze %dma_wait3A_296 : memref<1x128xi32, #tpu.memory_space<vmem>> -> memref<128xi32, #tpu.memory_space<vmem>>
      %dma_wait3A_298 = tpu.memref_slice %arg4[%add3A_9] : memref<16384xi32, #tpu.memory_space<hbm>> -> memref<128xi32, #tpu.memory_space<hbm>>
      tpu.wait_dma2 semaphore(%run_scoped3A_282 : memref<!tpu.dma_semaphore, #tpu.memory_space<semaphore_mem>>) src(%dma_wait3A_298 : memref<128xi32, #tpu.memory_space<hbm>>) dst(%dma_wait3A_297 : memref<128xi32, #tpu.memory_space<vmem>>)
      tpu.yield
    }) : () -> ()
    %add3A_11 = arith.constant 128 : i32
    %add3A_12 = arith.addi %mul3A_2, %add3A_11 : i32
    %run_scoped3A_13 = arith.constant 1 : i32
    "tpu.region"() ({
      %run_scoped3A_282 = tpu.sem_alloc : memref<!tpu.dma_semaphore, #tpu.memory_space<semaphore_mem>>
      %dma_start3A_283 = arith.constant 0 : i32
      %dma_start3A_284 = tpu.memref_slice %arg9[%run_scoped3A_13, %dma_start3A_283] : memref<4x128xi32, #tpu.memory_space<vmem>> -> memref<1x128xi32, #tpu.memory_space<vmem>>
      %dma_start3A_285 = tpu.memref_squeeze %dma_start3A_284 : memref<1x128xi32, #tpu.memory_space<vmem>> -> memref<128xi32, #tpu.memory_space<vmem>>
      %dma_start3A_286 = tpu.memref_slice %arg2[%add3A_12] : memref<16384xi32, #tpu.memory_space<hbm>> -> memref<128xi32, #tpu.memory_space<hbm>>
      %dma_start3A_287 = arith.constant 0 : i32
      %dma_start3A_288 = tpu.memref_slice %arg9[%run_scoped3A_13, %dma_start3A_287] : memref<4x128xi32, #tpu.memory_space<vmem>> -> memref<1x128xi32, #tpu.memory_space<vmem>>
      %dma_start3A_289 = tpu.memref_squeeze %dma_start3A_288 : memref<1x128xi32, #tpu.memory_space<vmem>> -> memref<128xi32, #tpu.memory_space<vmem>>
      %dma_start3A_290 = tpu.memref_slice %arg2[%add3A_12] : memref<16384xi32, #tpu.memory_space<hbm>> -> memref<128xi32, #tpu.memory_space<hbm>>
      tpu.enqueue_dma source(%dma_start3A_290 : memref<128xi32, #tpu.memory_space<hbm>>) target(%dma_start3A_289 : memref<128xi32, #tpu.memory_space<vmem>>) target_semaphore(%run_scoped3A_282 : memref<!tpu.dma_semaphore, #tpu.memory_space<semaphore_mem>>)
      %dma_wait3A_291 = arith.constant 0 : i32
      %dma_wait3A_292 = tpu.memref_slice %arg9[%run_scoped3A_13, %dma_wait3A_291] : memref<4x128xi32, #tpu.memory_space<vmem>> -> memref<1x128xi32, #tpu.memory_space<vmem>>
      %dma_wait3A_293 = tpu.memref_squeeze %dma_wait3A_292 : memref<1x128xi32, #tpu.memory_space<vmem>> -> memref<128xi32, #tpu.memory_space<vmem>>
      %dma_wait3A_294 = tpu.memref_slice %arg2[%add3A_12] : memref<16384xi32, #tpu.memory_space<hbm>> -> memref<128xi32, #tpu.memory_space<hbm>>
      %dma_wait3A_295 = arith.constant 0 : i32
      %dma_wait3A_296 = tpu.memref_slice %arg9[%run_scoped3A_13, %dma_wait3A_295] : memref<4x128xi32, #tpu.memory_space<vmem>> -> memref<1x128xi32, #tpu.memory_space<vmem>>
      %dma_wait3A_297 = tpu.memref_squeeze %dma_wait3A_296 : memref<1x128xi32, #tpu.memory_space<vmem>> -> memref<128xi32, #tpu.memory_space<vmem>>
      %dma_wait3A_298 = tpu.memref_slice %arg2[%add3A_12] : memref<16384xi32, #tpu.memory_space<hbm>> -> memref<128xi32, #tpu.memory_space<hbm>>
      tpu.wait_dma2 semaphore(%run_scoped3A_282 : memref<!tpu.dma_semaphore, #tpu.memory_space<semaphore_mem>>) src(%dma_wait3A_298 : memref<128xi32, #tpu.memory_space<hbm>>) dst(%dma_wait3A_297 : memref<128xi32, #tpu.memory_space<vmem>>)
      tpu.yield
    }) : () -> ()
    %add3A_14 = arith.constant 128 : i32
    %add3A_15 = arith.addi %mul3A_2, %add3A_14 : i32
    %run_scoped3A_16 = arith.constant 1 : i32
    "tpu.region"() ({
      %run_scoped3A_282 = tpu.sem_alloc : memref<!tpu.dma_semaphore, #tpu.memory_space<semaphore_mem>>
      %dma_start3A_283 = arith.constant 0 : i32
      %dma_start3A_284 = tpu.memref_slice %arg10[%run_scoped3A_16, %dma_start3A_283] : memref<4x128xi32, #tpu.memory_space<vmem>> -> memref<1x128xi32, #tpu.memory_space<vmem>>
      %dma_start3A_285 = tpu.memref_squeeze %dma_start3A_284 : memref<1x128xi32, #tpu.memory_space<vmem>> -> memref<128xi32, #tpu.memory_space<vmem>>
      %dma_start3A_286 = tpu.memref_slice %arg3[%add3A_15] : memref<16384xi32, #tpu.memory_space<hbm>> -> memref<128xi32, #tpu.memory_space<hbm>>
      %dma_start3A_287 = arith.constant 0 : i32
      %dma_start3A_288 = tpu.memref_slice %arg10[%run_scoped3A_16, %dma_start3A_287] : memref<4x128xi32, #tpu.memory_space<vmem>> -> memref<1x128xi32, #tpu.memory_space<vmem>>
      %dma_start3A_289 = tpu.memref_squeeze %dma_start3A_288 : memref<1x128xi32, #tpu.memory_space<vmem>> -> memref<128xi32, #tpu.memory_space<vmem>>
      %dma_start3A_290 = tpu.memref_slice %arg3[%add3A_15] : memref<16384xi32, #tpu.memory_space<hbm>> -> memref<128xi32, #tpu.memory_space<hbm>>
      tpu.enqueue_dma source(%dma_start3A_290 : memref<128xi32, #tpu.memory_space<hbm>>) target(%dma_start3A_289 : memref<128xi32, #tpu.memory_space<vmem>>) target_semaphore(%run_scoped3A_282 : memref<!tpu.dma_semaphore, #tpu.memory_space<semaphore_mem>>)
      %dma_wait3A_291 = arith.constant 0 : i32
      %dma_wait3A_292 = tpu.memref_slice %arg10[%run_scoped3A_16, %dma_wait3A_291] : memref<4x128xi32, #tpu.memory_space<vmem>> -> memref<1x128xi32, #tpu.memory_space<vmem>>
      %dma_wait3A_293 = tpu.memref_squeeze %dma_wait3A_292 : memref<1x128xi32, #tpu.memory_space<vmem>> -> memref<128xi32, #tpu.memory_space<vmem>>
      %dma_wait3A_294 = tpu.memref_slice %arg3[%add3A_15] : memref<16384xi32, #tpu.memory_space<hbm>> -> memref<128xi32, #tpu.memory_space<hbm>>
      %dma_wait3A_295 = arith.constant 0 : i32
      %dma_wait3A_296 = tpu.memref_slice %arg10[%run_scoped3A_16, %dma_wait3A_295] : memref<4x128xi32, #tpu.memory_space<vmem>> -> memref<1x128xi32, #tpu.memory_space<vmem>>
      %dma_wait3A_297 = tpu.memref_squeeze %dma_wait3A_296 : memref<1x128xi32, #tpu.memory_space<vmem>> -> memref<128xi32, #tpu.memory_space<vmem>>
      %dma_wait3A_298 = tpu.memref_slice %arg3[%add3A_15] : memref<16384xi32, #tpu.memory_space<hbm>> -> memref<128xi32, #tpu.memory_space<hbm>>
      tpu.wait_dma2 semaphore(%run_scoped3A_282 : memref<!tpu.dma_semaphore, #tpu.memory_space<semaphore_mem>>) src(%dma_wait3A_298 : memref<128xi32, #tpu.memory_space<hbm>>) dst(%dma_wait3A_297 : memref<128xi32, #tpu.memory_space<vmem>>)
      tpu.yield
    }) : () -> ()
    %add3A_17 = arith.constant 128 : i32
    %add3A_18 = arith.addi %mul3A_2, %add3A_17 : i32
    %run_scoped3A_19 = arith.constant 1 : i32
    "tpu.region"() ({
      %run_scoped3A_282 = tpu.sem_alloc : memref<!tpu.dma_semaphore, #tpu.memory_space<semaphore_mem>>
      %dma_start3A_283 = arith.constant 0 : i32
      %dma_start3A_284 = tpu.memref_slice %arg11[%run_scoped3A_19, %dma_start3A_283] : memref<4x128xi32, #tpu.memory_space<vmem>> -> memref<1x128xi32, #tpu.memory_space<vmem>>
      %dma_start3A_285 = tpu.memref_squeeze %dma_start3A_284 : memref<1x128xi32, #tpu.memory_space<vmem>> -> memref<128xi32, #tpu.memory_space<vmem>>
      %dma_start3A_286 = tpu.memref_slice %arg4[%add3A_18] : memref<16384xi32, #tpu.memory_space<hbm>> -> memref<128xi32, #tpu.memory_space<hbm>>
      %dma_start3A_287 = arith.constant 0 : i32
      %dma_start3A_288 = tpu.memref_slice %arg11[%run_scoped3A_19, %dma_start3A_287] : memref<4x128xi32, #tpu.memory_space<vmem>> -> memref<1x128xi32, #tpu.memory_space<vmem>>
      %dma_start3A_289 = tpu.memref_squeeze %dma_start3A_288 : memref<1x128xi32, #tpu.memory_space<vmem>> -> memref<128xi32, #tpu.memory_space<vmem>>
      %dma_start3A_290 = tpu.memref_slice %arg4[%add3A_18] : memref<16384xi32, #tpu.memory_space<hbm>> -> memref<128xi32, #tpu.memory_space<hbm>>
      tpu.enqueue_dma source(%dma_start3A_290 : memref<128xi32, #tpu.memory_space<hbm>>) target(%dma_start3A_289 : memref<128xi32, #tpu.memory_space<vmem>>) target_semaphore(%run_scoped3A_282 : memref<!tpu.dma_semaphore, #tpu.memory_space<semaphore_mem>>)
      %dma_wait3A_291 = arith.constant 0 : i32
      %dma_wait3A_292 = tpu.memref_slice %arg11[%run_scoped3A_19, %dma_wait3A_291] : memref<4x128xi32, #tpu.memory_space<vmem>> -> memref<1x128xi32, #tpu.memory_space<vmem>>
      %dma_wait3A_293 = tpu.memref_squeeze %dma_wait3A_292 : memref<1x128xi32, #tpu.memory_space<vmem>> -> memref<128xi32, #tpu.memory_space<vmem>>
      %dma_wait3A_294 = tpu.memref_slice %arg4[%add3A_18] : memref<16384xi32, #tpu.memory_space<hbm>> -> memref<128xi32, #tpu.memory_space<hbm>>
      %dma_wait3A_295 = arith.constant 0 : i32
      %dma_wait3A_296 = tpu.memref_slice %arg11[%run_scoped3A_19, %dma_wait3A_295] : memref<4x128xi32, #tpu.memory_space<vmem>> -> memref<1x128xi32, #tpu.memory_space<vmem>>
      %dma_wait3A_297 = tpu.memref_squeeze %dma_wait3A_296 : memref<1x128xi32, #tpu.memory_space<vmem>> -> memref<128xi32, #tpu.memory_space<vmem>>
      %dma_wait3A_298 = tpu.memref_slice %arg4[%add3A_18] : memref<16384xi32, #tpu.memory_space<hbm>> -> memref<128xi32, #tpu.memory_space<hbm>>
      tpu.wait_dma2 semaphore(%run_scoped3A_282 : memref<!tpu.dma_semaphore, #tpu.memory_space<semaphore_mem>>) src(%dma_wait3A_298 : memref<128xi32, #tpu.memory_space<hbm>>) dst(%dma_wait3A_297 : memref<128xi32, #tpu.memory_space<vmem>>)
      tpu.yield
    }) : () -> ()
    %add3A_20 = arith.constant 256 : i32
    %add3A_21 = arith.addi %mul3A_2, %add3A_20 : i32
    %run_scoped3A_22 = arith.constant 2 : i32
    "tpu.region"() ({
      %run_scoped3A_282 = tpu.sem_alloc : memref<!tpu.dma_semaphore, #tpu.memory_space<semaphore_mem>>
      %dma_start3A_283 = arith.constant 0 : i32
      %dma_start3A_284 = tpu.memref_slice %arg9[%run_scoped3A_22, %dma_start3A_283] : memref<4x128xi32, #tpu.memory_space<vmem>> -> memref<1x128xi32, #tpu.memory_space<vmem>>
      %dma_start3A_285 = tpu.memref_squeeze %dma_start3A_284 : memref<1x128xi32, #tpu.memory_space<vmem>> -> memref<128xi32, #tpu.memory_space<vmem>>
      %dma_start3A_286 = tpu.memref_slice %arg2[%add3A_21] : memref<16384xi32, #tpu.memory_space<hbm>> -> memref<128xi32, #tpu.memory_space<hbm>>
      %dma_start3A_287 = arith.constant 0 : i32
      %dma_start3A_288 = tpu.memref_slice %arg9[%run_scoped3A_22, %dma_start3A_287] : memref<4x128xi32, #tpu.memory_space<vmem>> -> memref<1x128xi32, #tpu.memory_space<vmem>>
      %dma_start3A_289 = tpu.memref_squeeze %dma_start3A_288 : memref<1x128xi32, #tpu.memory_space<vmem>> -> memref<128xi32, #tpu.memory_space<vmem>>
      %dma_start3A_290 = tpu.memref_slice %arg2[%add3A_21] : memref<16384xi32, #tpu.memory_space<hbm>> -> memref<128xi32, #tpu.memory_space<hbm>>
      tpu.enqueue_dma source(%dma_start3A_290 : memref<128xi32, #tpu.memory_space<hbm>>) target(%dma_start3A_289 : memref<128xi32, #tpu.memory_space<vmem>>) target_semaphore(%run_scoped3A_282 : memref<!tpu.dma_semaphore, #tpu.memory_space<semaphore_mem>>)
      %dma_wait3A_291 = arith.constant 0 : i32
      %dma_wait3A_292 = tpu.memref_slice %arg9[%run_scoped3A_22, %dma_wait3A_291] : memref<4x128xi32, #tpu.memory_space<vmem>> -> memref<1x128xi32, #tpu.memory_space<vmem>>
      %dma_wait3A_293 = tpu.memref_squeeze %dma_wait3A_292 : memref<1x128xi32, #tpu.memory_space<vmem>> -> memref<128xi32, #tpu.memory_space<vmem>>
      %dma_wait3A_294 = tpu.memref_slice %arg2[%add3A_21] : memref<16384xi32, #tpu.memory_space<hbm>> -> memref<128xi32, #tpu.memory_space<hbm>>
      %dma_wait3A_295 = arith.constant 0 : i32
      %dma_wait3A_296 = tpu.memref_slice %arg9[%run_scoped3A_22, %dma_wait3A_295] : memref<4x128xi32, #tpu.memory_space<vmem>> -> memref<1x128xi32, #tpu.memory_space<vmem>>
      %dma_wait3A_297 = tpu.memref_squeeze %dma_wait3A_296 : memref<1x128xi32, #tpu.memory_space<vmem>> -> memref<128xi32, #tpu.memory_space<vmem>>
      %dma_wait3A_298 = tpu.memref_slice %arg2[%add3A_21] : memref<16384xi32, #tpu.memory_space<hbm>> -> memref<128xi32, #tpu.memory_space<hbm>>
      tpu.wait_dma2 semaphore(%run_scoped3A_282 : memref<!tpu.dma_semaphore, #tpu.memory_space<semaphore_mem>>) src(%dma_wait3A_298 : memref<128xi32, #tpu.memory_space<hbm>>) dst(%dma_wait3A_297 : memref<128xi32, #tpu.memory_space<vmem>>)
      tpu.yield
    }) : () -> ()
    %add3A_23 = arith.constant 256 : i32
    %add3A_24 = arith.addi %mul3A_2, %add3A_23 : i32
    %run_scoped3A_25 = arith.constant 2 : i32
    "tpu.region"() ({
      %run_scoped3A_282 = tpu.sem_alloc : memref<!tpu.dma_semaphore, #tpu.memory_space<semaphore_mem>>
      %dma_start3A_283 = arith.constant 0 : i32
      %dma_start3A_284 = tpu.memref_slice %arg10[%run_scoped3A_25, %dma_start3A_283] : memref<4x128xi32, #tpu.memory_space<vmem>> -> memref<1x128xi32, #tpu.memory_space<vmem>>
      %dma_start3A_285 = tpu.memref_squeeze %dma_start3A_284 : memref<1x128xi32, #tpu.memory_space<vmem>> -> memref<128xi32, #tpu.memory_space<vmem>>
      %dma_start3A_286 = tpu.memref_slice %arg3[%add3A_24] : memref<16384xi32, #tpu.memory_space<hbm>> -> memref<128xi32, #tpu.memory_space<hbm>>
      %dma_start3A_287 = arith.constant 0 : i32
      %dma_start3A_288 = tpu.memref_slice %arg10[%run_scoped3A_25, %dma_start3A_287] : memref<4x128xi32, #tpu.memory_space<vmem>> -> memref<1x128xi32, #tpu.memory_space<vmem>>
      %dma_start3A_289 = tpu.memref_squeeze %dma_start3A_288 : memref<1x128xi32, #tpu.memory_space<vmem>> -> memref<128xi32, #tpu.memory_space<vmem>>
      %dma_start3A_290 = tpu.memref_slice %arg3[%add3A_24] : memref<16384xi32, #tpu.memory_space<hbm>> -> memref<128xi32, #tpu.memory_space<hbm>>
      tpu.enqueue_dma source(%dma_start3A_290 : memref<128xi32, #tpu.memory_space<hbm>>) target(%dma_start3A_289 : memref<128xi32, #tpu.memory_space<vmem>>) target_semaphore(%run_scoped3A_282 : memref<!tpu.dma_semaphore, #tpu.memory_space<semaphore_mem>>)
      %dma_wait3A_291 = arith.constant 0 : i32
      %dma_wait3A_292 = tpu.memref_slice %arg10[%run_scoped3A_25, %dma_wait3A_291] : memref<4x128xi32, #tpu.memory_space<vmem>> -> memref<1x128xi32, #tpu.memory_space<vmem>>
      %dma_wait3A_293 = tpu.memref_squeeze %dma_wait3A_292 : memref<1x128xi32, #tpu.memory_space<vmem>> -> memref<128xi32, #tpu.memory_space<vmem>>
      %dma_wait3A_294 = tpu.memref_slice %arg3[%add3A_24] : memref<16384xi32, #tpu.memory_space<hbm>> -> memref<128xi32, #tpu.memory_space<hbm>>
      %dma_wait3A_295 = arith.constant 0 : i32
      %dma_wait3A_296 = tpu.memref_slice %arg10[%run_scoped3A_25, %dma_wait3A_295] : memref<4x128xi32, #tpu.memory_space<vmem>> -> memref<1x128xi32, #tpu.memory_space<vmem>>
      %dma_wait3A_297 = tpu.memref_squeeze %dma_wait3A_296 : memref<1x128xi32, #tpu.memory_space<vmem>> -> memref<128xi32, #tpu.memory_space<vmem>>
      %dma_wait3A_298 = tpu.memref_slice %arg3[%add3A_24] : memref<16384xi32, #tpu.memory_space<hbm>> -> memref<128xi32, #tpu.memory_space<hbm>>
      tpu.wait_dma2 semaphore(%run_scoped3A_282 : memref<!tpu.dma_semaphore, #tpu.memory_space<semaphore_mem>>) src(%dma_wait3A_298 : memref<128xi32, #tpu.memory_space<hbm>>) dst(%dma_wait3A_297 : memref<128xi32, #tpu.memory_space<vmem>>)
      tpu.yield
    }) : () -> ()
    %add3A_26 = arith.constant 256 : i32
    %add3A_27 = arith.addi %mul3A_2, %add3A_26 : i32
    %run_scoped3A_28 = arith.constant 2 : i32
    "tpu.region"() ({
      %run_scoped3A_282 = tpu.sem_alloc : memref<!tpu.dma_semaphore, #tpu.memory_space<semaphore_mem>>
      %dma_start3A_283 = arith.constant 0 : i32
      %dma_start3A_284 = tpu.memref_slice %arg11[%run_scoped3A_28, %dma_start3A_283] : memref<4x128xi32, #tpu.memory_space<vmem>> -> memref<1x128xi32, #tpu.memory_space<vmem>>
      %dma_start3A_285 = tpu.memref_squeeze %dma_start3A_284 : memref<1x128xi32, #tpu.memory_space<vmem>> -> memref<128xi32, #tpu.memory_space<vmem>>
      %dma_start3A_286 = tpu.memref_slice %arg4[%add3A_27] : memref<16384xi32, #tpu.memory_space<hbm>> -> memref<128xi32, #tpu.memory_space<hbm>>
      %dma_start3A_287 = arith.constant 0 : i32
      %dma_start3A_288 = tpu.memref_slice %arg11[%run_scoped3A_28, %dma_start3A_287] : memref<4x128xi32, #tpu.memory_space<vmem>> -> memref<1x128xi32, #tpu.memory_space<vmem>>
      %dma_start3A_289 = tpu.memref_squeeze %dma_start3A_288 : memref<1x128xi32, #tpu.memory_space<vmem>> -> memref<128xi32, #tpu.memory_space<vmem>>
      %dma_start3A_290 = tpu.memref_slice %arg4[%add3A_27] : memref<16384xi32, #tpu.memory_space<hbm>> -> memref<128xi32, #tpu.memory_space<hbm>>
      tpu.enqueue_dma source(%dma_start3A_290 : memref<128xi32, #tpu.memory_space<hbm>>) target(%dma_start3A_289 : memref<128xi32, #tpu.memory_space<vmem>>) target_semaphore(%run_scoped3A_282 : memref<!tpu.dma_semaphore, #tpu.memory_space<semaphore_mem>>)
      %dma_wait3A_291 = arith.constant 0 : i32
      %dma_wait3A_292 = tpu.memref_slice %arg11[%run_scoped3A_28, %dma_wait3A_291] : memref<4x128xi32, #tpu.memory_space<vmem>> -> memref<1x128xi32, #tpu.memory_space<vmem>>
      %dma_wait3A_293 = tpu.memref_squeeze %dma_wait3A_292 : memref<1x128xi32, #tpu.memory_space<vmem>> -> memref<128xi32, #tpu.memory_space<vmem>>
      %dma_wait3A_294 = tpu.memref_slice %arg4[%add3A_27] : memref<16384xi32, #tpu.memory_space<hbm>> -> memref<128xi32, #tpu.memory_space<hbm>>
      %dma_wait3A_295 = arith.constant 0 : i32
      %dma_wait3A_296 = tpu.memref_slice %arg11[%run_scoped3A_28, %dma_wait3A_295] : memref<4x128xi32, #tpu.memory_space<vmem>> -> memref<1x128xi32, #tpu.memory_space<vmem>>
      %dma_wait3A_297 = tpu.memref_squeeze %dma_wait3A_296 : memref<1x128xi32, #tpu.memory_space<vmem>> -> memref<128xi32, #tpu.memory_space<vmem>>
      %dma_wait3A_298 = tpu.memref_slice %arg4[%add3A_27] : memref<16384xi32, #tpu.memory_space<hbm>> -> memref<128xi32, #tpu.memory_space<hbm>>
      tpu.wait_dma2 semaphore(%run_scoped3A_282 : memref<!tpu.dma_semaphore, #tpu.memory_space<semaphore_mem>>) src(%dma_wait3A_298 : memref<128xi32, #tpu.memory_space<hbm>>) dst(%dma_wait3A_297 : memref<128xi32, #tpu.memory_space<vmem>>)
      tpu.yield
    }) : () -> ()
    %add3A_29 = arith.constant 384 : i32
    %add3A_30 = arith.addi %mul3A_2, %add3A_29 : i32
    %run_scoped3A_31 = arith.constant 3 : i32
    "tpu.region"() ({
      %run_scoped3A_282 = tpu.sem_alloc : memref<!tpu.dma_semaphore, #tpu.memory_space<semaphore_mem>>
      %dma_start3A_283 = arith.constant 0 : i32
      %dma_start3A_284 = tpu.memref_slice %arg9[%run_scoped3A_31, %dma_start3A_283] : memref<4x128xi32, #tpu.memory_space<vmem>> -> memref<1x128xi32, #tpu.memory_space<vmem>>
      %dma_start3A_285 = tpu.memref_squeeze %dma_start3A_284 : memref<1x128xi32, #tpu.memory_space<vmem>> -> memref<128xi32, #tpu.memory_space<vmem>>
      %dma_start3A_286 = tpu.memref_slice %arg2[%add3A_30] : memref<16384xi32, #tpu.memory_space<hbm>> -> memref<128xi32, #tpu.memory_space<hbm>>
      %dma_start3A_287 = arith.constant 0 : i32
      %dma_start3A_288 = tpu.memref_slice %arg9[%run_scoped3A_31, %dma_start3A_287] : memref<4x128xi32, #tpu.memory_space<vmem>> -> memref<1x128xi32, #tpu.memory_space<vmem>>
      %dma_start3A_289 = tpu.memref_squeeze %dma_start3A_288 : memref<1x128xi32, #tpu.memory_space<vmem>> -> memref<128xi32, #tpu.memory_space<vmem>>
      %dma_start3A_290 = tpu.memref_slice %arg2[%add3A_30] : memref<16384xi32, #tpu.memory_space<hbm>> -> memref<128xi32, #tpu.memory_space<hbm>>
      tpu.enqueue_dma source(%dma_start3A_290 : memref<128xi32, #tpu.memory_space<hbm>>) target(%dma_start3A_289 : memref<128xi32, #tpu.memory_space<vmem>>) target_semaphore(%run_scoped3A_282 : memref<!tpu.dma_semaphore, #tpu.memory_space<semaphore_mem>>)
      %dma_wait3A_291 = arith.constant 0 : i32
      %dma_wait3A_292 = tpu.memref_slice %arg9[%run_scoped3A_31, %dma_wait3A_291] : memref<4x128xi32, #tpu.memory_space<vmem>> -> memref<1x128xi32, #tpu.memory_space<vmem>>
      %dma_wait3A_293 = tpu.memref_squeeze %dma_wait3A_292 : memref<1x128xi32, #tpu.memory_space<vmem>> -> memref<128xi32, #tpu.memory_space<vmem>>
      %dma_wait3A_294 = tpu.memref_slice %arg2[%add3A_30] : memref<16384xi32, #tpu.memory_space<hbm>> -> memref<128xi32, #tpu.memory_space<hbm>>
      %dma_wait3A_295 = arith.constant 0 : i32
      %dma_wait3A_296 = tpu.memref_slice %arg9[%run_scoped3A_31, %dma_wait3A_295] : memref<4x128xi32, #tpu.memory_space<vmem>> -> memref<1x128xi32, #tpu.memory_space<vmem>>
      %dma_wait3A_297 = tpu.memref_squeeze %dma_wait3A_296 : memref<1x128xi32, #tpu.memory_space<vmem>> -> memref<128xi32, #tpu.memory_space<vmem>>
      %dma_wait3A_298 = tpu.memref_slice %arg2[%add3A_30] : memref<16384xi32, #tpu.memory_space<hbm>> -> memref<128xi32, #tpu.memory_space<hbm>>
      tpu.wait_dma2 semaphore(%run_scoped3A_282 : memref<!tpu.dma_semaphore, #tpu.memory_space<semaphore_mem>>) src(%dma_wait3A_298 : memref<128xi32, #tpu.memory_space<hbm>>) dst(%dma_wait3A_297 : memref<128xi32, #tpu.memory_space<vmem>>)
      tpu.yield
    }) : () -> ()
    %add3A_32 = arith.constant 384 : i32
    %add3A_33 = arith.addi %mul3A_2, %add3A_32 : i32
    %run_scoped3A_34 = arith.constant 3 : i32
    "tpu.region"() ({
      %run_scoped3A_282 = tpu.sem_alloc : memref<!tpu.dma_semaphore, #tpu.memory_space<semaphore_mem>>
      %dma_start3A_283 = arith.constant 0 : i32
      %dma_start3A_284 = tpu.memref_slice %arg10[%run_scoped3A_34, %dma_start3A_283] : memref<4x128xi32, #tpu.memory_space<vmem>> -> memref<1x128xi32, #tpu.memory_space<vmem>>
      %dma_start3A_285 = tpu.memref_squeeze %dma_start3A_284 : memref<1x128xi32, #tpu.memory_space<vmem>> -> memref<128xi32, #tpu.memory_space<vmem>>
      %dma_start3A_286 = tpu.memref_slice %arg3[%add3A_33] : memref<16384xi32, #tpu.memory_space<hbm>> -> memref<128xi32, #tpu.memory_space<hbm>>
      %dma_start3A_287 = arith.constant 0 : i32
      %dma_start3A_288 = tpu.memref_slice %arg10[%run_scoped3A_34, %dma_start3A_287] : memref<4x128xi32, #tpu.memory_space<vmem>> -> memref<1x128xi32, #tpu.memory_space<vmem>>
      %dma_start3A_289 = tpu.memref_squeeze %dma_start3A_288 : memref<1x128xi32, #tpu.memory_space<vmem>> -> memref<128xi32, #tpu.memory_space<vmem>>
      %dma_start3A_290 = tpu.memref_slice %arg3[%add3A_33] : memref<16384xi32, #tpu.memory_space<hbm>> -> memref<128xi32, #tpu.memory_space<hbm>>
      tpu.enqueue_dma source(%dma_start3A_290 : memref<128xi32, #tpu.memory_space<hbm>>) target(%dma_start3A_289 : memref<128xi32, #tpu.memory_space<vmem>>) target_semaphore(%run_scoped3A_282 : memref<!tpu.dma_semaphore, #tpu.memory_space<semaphore_mem>>)
      %dma_wait3A_291 = arith.constant 0 : i32
      %dma_wait3A_292 = tpu.memref_slice %arg10[%run_scoped3A_34, %dma_wait3A_291] : memref<4x128xi32, #tpu.memory_space<vmem>> -> memref<1x128xi32, #tpu.memory_space<vmem>>
      %dma_wait3A_293 = tpu.memref_squeeze %dma_wait3A_292 : memref<1x128xi32, #tpu.memory_space<vmem>> -> memref<128xi32, #tpu.memory_space<vmem>>
      %dma_wait3A_294 = tpu.memref_slice %arg3[%add3A_33] : memref<16384xi32, #tpu.memory_space<hbm>> -> memref<128xi32, #tpu.memory_space<hbm>>
      %dma_wait3A_295 = arith.constant 0 : i32
      %dma_wait3A_296 = tpu.memref_slice %arg10[%run_scoped3A_34, %dma_wait3A_295] : memref<4x128xi32, #tpu.memory_space<vmem>> -> memref<1x128xi32, #tpu.memory_space<vmem>>
      %dma_wait3A_297 = tpu.memref_squeeze %dma_wait3A_296 : memref<1x128xi32, #tpu.memory_space<vmem>> -> memref<128xi32, #tpu.memory_space<vmem>>
      %dma_wait3A_298 = tpu.memref_slice %arg3[%add3A_33] : memref<16384xi32, #tpu.memory_space<hbm>> -> memref<128xi32, #tpu.memory_space<hbm>>
      tpu.wait_dma2 semaphore(%run_scoped3A_282 : memref<!tpu.dma_semaphore, #tpu.memory_space<semaphore_mem>>) src(%dma_wait3A_298 : memref<128xi32, #tpu.memory_space<hbm>>) dst(%dma_wait3A_297 : memref<128xi32, #tpu.memory_space<vmem>>)
      tpu.yield
    }) : () -> ()
    %add3A_35 = arith.constant 384 : i32
    %add3A_36 = arith.addi %mul3A_2, %add3A_35 : i32
    %run_scoped3A_37 = arith.constant 3 : i32
    "tpu.region"() ({
      %run_scoped3A_282 = tpu.sem_alloc : memref<!tpu.dma_semaphore, #tpu.memory_space<semaphore_mem>>
      %dma_start3A_283 = arith.constant 0 : i32
      %dma_start3A_284 = tpu.memref_slice %arg11[%run_scoped3A_37, %dma_start3A_283] : memref<4x128xi32, #tpu.memory_space<vmem>> -> memref<1x128xi32, #tpu.memory_space<vmem>>
      %dma_start3A_285 = tpu.memref_squeeze %dma_start3A_284 : memref<1x128xi32, #tpu.memory_space<vmem>> -> memref<128xi32, #tpu.memory_space<vmem>>
      %dma_start3A_286 = tpu.memref_slice %arg4[%add3A_36] : memref<16384xi32, #tpu.memory_space<hbm>> -> memref<128xi32, #tpu.memory_space<hbm>>
      %dma_start3A_287 = arith.constant 0 : i32
      %dma_start3A_288 = tpu.memref_slice %arg11[%run_scoped3A_37, %dma_start3A_287] : memref<4x128xi32, #tpu.memory_space<vmem>> -> memref<1x128xi32, #tpu.memory_space<vmem>>
      %dma_start3A_289 = tpu.memref_squeeze %dma_start3A_288 : memref<1x128xi32, #tpu.memory_space<vmem>> -> memref<128xi32, #tpu.memory_space<vmem>>
      %dma_start3A_290 = tpu.memref_slice %arg4[%add3A_36] : memref<16384xi32, #tpu.memory_space<hbm>> -> memref<128xi32, #tpu.memory_space<hbm>>
      tpu.enqueue_dma source(%dma_start3A_290 : memref<128xi32, #tpu.memory_space<hbm>>) target(%dma_start3A_289 : memref<128xi32, #tpu.memory_space<vmem>>) target_semaphore(%run_scoped3A_282 : memref<!tpu.dma_semaphore, #tpu.memory_space<semaphore_mem>>)
      %dma_wait3A_291 = arith.constant 0 : i32
      %dma_wait3A_292 = tpu.memref_slice %arg11[%run_scoped3A_37, %dma_wait3A_291] : memref<4x128xi32, #tpu.memory_space<vmem>> -> memref<1x128xi32, #tpu.memory_space<vmem>>
      %dma_wait3A_293 = tpu.memref_squeeze %dma_wait3A_292 : memref<1x128xi32, #tpu.memory_space<vmem>> -> memref<128xi32, #tpu.memory_space<vmem>>
      %dma_wait3A_294 = tpu.memref_slice %arg4[%add3A_36] : memref<16384xi32, #tpu.memory_space<hbm>> -> memref<128xi32, #tpu.memory_space<hbm>>
      %dma_wait3A_295 = arith.constant 0 : i32
      %dma_wait3A_296 = tpu.memref_slice %arg11[%run_scoped3A_37, %dma_wait3A_295] : memref<4x128xi32, #tpu.memory_space<vmem>> -> memref<1x128xi32, #tpu.memory_space<vmem>>
      %dma_wait3A_297 = tpu.memref_squeeze %dma_wait3A_296 : memref<1x128xi32, #tpu.memory_space<vmem>> -> memref<128xi32, #tpu.memory_space<vmem>>
      %dma_wait3A_298 = tpu.memref_slice %arg4[%add3A_36] : memref<16384xi32, #tpu.memory_space<hbm>> -> memref<128xi32, #tpu.memory_space<hbm>>
      tpu.wait_dma2 semaphore(%run_scoped3A_282 : memref<!tpu.dma_semaphore, #tpu.memory_space<semaphore_mem>>) src(%dma_wait3A_298 : memref<128xi32, #tpu.memory_space<hbm>>) dst(%dma_wait3A_297 : memref<128xi32, #tpu.memory_space<vmem>>)
      tpu.yield
    }) : () -> ()
    %dma_start3A = arith.constant 0 : i32
    %dma_start3A_38 = arith.constant 0 : i32
    %dma_start3A_39 = arith.constant 0 : i32
    %dma_start3A_40 = tpu.memref_slice %arg12[%dma_start3A_38, %dma_start3A_39] : memref<512x32xf32, #tpu.memory_space<vmem>> -> memref<128x32xf32, #tpu.memory_space<vmem>>
    %dma_start3A_41 = arith.constant 0 : i32
    %dma_start3A_42 = tpu.memref_slice %arg9[%dma_start3A, %dma_start3A_41] : memref<4x128xi32, #tpu.memory_space<vmem>> -> memref<1x128xi32, #tpu.memory_space<vmem>>
    %dma_start3A_43 = tpu.memref_squeeze %dma_start3A_42 : memref<1x128xi32, #tpu.memory_space<vmem>> -> memref<128xi32, #tpu.memory_space<vmem>>
    %dma_start3A_44 = arith.constant 0 : i32
    %dma_start3A_45 = arith.constant 0 : i32
    %dma_start3A_46 = tpu.memref_slice %arg5[%dma_start3A_44, %dma_start3A_45] : memref<1000000x32xf32, #tpu.memory_space<hbm>> -> memref<1000000x32xf32, #tpu.memory_space<hbm>>
    tpu.enqueue_indirect_dma source(%dma_start3A_46 : memref<1000000x32xf32, #tpu.memory_space<hbm>>) target(%dma_start3A_40 : memref<128x32xf32, #tpu.memory_space<vmem>>) offsets(%dma_start3A_43 : memref<128xi32, #tpu.memory_space<vmem>>) semaphore(%arg17 : memref<!tpu.dma_semaphore, #tpu.memory_space<semaphore_mem>>)
    %dma_start3A_47 = arith.constant 0 : i32
    %dma_start3A_48 = arith.constant 0 : i32
    %dma_start3A_49 = arith.constant 0 : i32
    %dma_start3A_50 = tpu.memref_slice %arg13[%dma_start3A_48, %dma_start3A_49] : memref<512x32xf32, #tpu.memory_space<vmem>> -> memref<128x32xf32, #tpu.memory_space<vmem>>
    %dma_start3A_51 = arith.constant 0 : i32
    %dma_start3A_52 = tpu.memref_slice %arg10[%dma_start3A_47, %dma_start3A_51] : memref<4x128xi32, #tpu.memory_space<vmem>> -> memref<1x128xi32, #tpu.memory_space<vmem>>
    %dma_start3A_53 = tpu.memref_squeeze %dma_start3A_52 : memref<1x128xi32, #tpu.memory_space<vmem>> -> memref<128xi32, #tpu.memory_space<vmem>>
    %dma_start3A_54 = arith.constant 0 : i32
    %dma_start3A_55 = arith.constant 0 : i32
    %dma_start3A_56 = tpu.memref_slice %arg6[%dma_start3A_54, %dma_start3A_55] : memref<1000000x32xf32, #tpu.memory_space<hbm>> -> memref<1000000x32xf32, #tpu.memory_space<hbm>>
    tpu.enqueue_indirect_dma source(%dma_start3A_56 : memref<1000000x32xf32, #tpu.memory_space<hbm>>) target(%dma_start3A_50 : memref<128x32xf32, #tpu.memory_space<vmem>>) offsets(%dma_start3A_53 : memref<128xi32, #tpu.memory_space<vmem>>) semaphore(%arg17 : memref<!tpu.dma_semaphore, #tpu.memory_space<semaphore_mem>>)
    %dma_start3A_57 = arith.constant 0 : i32
    %dma_start3A_58 = arith.constant 0 : i32
    %dma_start3A_59 = arith.constant 0 : i32
    %dma_start3A_60 = tpu.memref_slice %arg14[%dma_start3A_58, %dma_start3A_59] : memref<512x32xf32, #tpu.memory_space<vmem>> -> memref<128x32xf32, #tpu.memory_space<vmem>>
    %dma_start3A_61 = arith.constant 0 : i32
    %dma_start3A_62 = tpu.memref_slice %arg11[%dma_start3A_57, %dma_start3A_61] : memref<4x128xi32, #tpu.memory_space<vmem>> -> memref<1x128xi32, #tpu.memory_space<vmem>>
    %dma_start3A_63 = tpu.memref_squeeze %dma_start3A_62 : memref<1x128xi32, #tpu.memory_space<vmem>> -> memref<128xi32, #tpu.memory_space<vmem>>
    %dma_start3A_64 = arith.constant 0 : i32
    %dma_start3A_65 = arith.constant 0 : i32
    %dma_start3A_66 = tpu.memref_slice %arg6[%dma_start3A_64, %dma_start3A_65] : memref<1000000x32xf32, #tpu.memory_space<hbm>> -> memref<1000000x32xf32, #tpu.memory_space<hbm>>
    tpu.enqueue_indirect_dma source(%dma_start3A_66 : memref<1000000x32xf32, #tpu.memory_space<hbm>>) target(%dma_start3A_60 : memref<128x32xf32, #tpu.memory_space<vmem>>) offsets(%dma_start3A_63 : memref<128xi32, #tpu.memory_space<vmem>>) semaphore(%arg17 : memref<!tpu.dma_semaphore, #tpu.memory_space<semaphore_mem>>)
    %dma_start3A_67 = arith.constant 1 : i32
    %dma_start3A_68 = arith.constant 128 : i32
    %dma_start3A_69 = arith.constant 0 : i32
    %dma_start3A_70 = tpu.memref_slice %arg12[%dma_start3A_68, %dma_start3A_69] : memref<512x32xf32, #tpu.memory_space<vmem>> -> memref<128x32xf32, #tpu.memory_space<vmem>>
    %dma_start3A_71 = arith.constant 0 : i32
    %dma_start3A_72 = tpu.memref_slice %arg9[%dma_start3A_67, %dma_start3A_71] : memref<4x128xi32, #tpu.memory_space<vmem>> -> memref<1x128xi32, #tpu.memory_space<vmem>>
    %dma_start3A_73 = tpu.memref_squeeze %dma_start3A_72 : memref<1x128xi32, #tpu.memory_space<vmem>> -> memref<128xi32, #tpu.memory_space<vmem>>
    %dma_start3A_74 = arith.constant 0 : i32
    %dma_start3A_75 = arith.constant 0 : i32
    %dma_start3A_76 = tpu.memref_slice %arg5[%dma_start3A_74, %dma_start3A_75] : memref<1000000x32xf32, #tpu.memory_space<hbm>> -> memref<1000000x32xf32, #tpu.memory_space<hbm>>
    tpu.enqueue_indirect_dma source(%dma_start3A_76 : memref<1000000x32xf32, #tpu.memory_space<hbm>>) target(%dma_start3A_70 : memref<128x32xf32, #tpu.memory_space<vmem>>) offsets(%dma_start3A_73 : memref<128xi32, #tpu.memory_space<vmem>>) semaphore(%arg17 : memref<!tpu.dma_semaphore, #tpu.memory_space<semaphore_mem>>)
    %dma_start3A_77 = arith.constant 1 : i32
    %dma_start3A_78 = arith.constant 128 : i32
    %dma_start3A_79 = arith.constant 0 : i32
    %dma_start3A_80 = tpu.memref_slice %arg13[%dma_start3A_78, %dma_start3A_79] : memref<512x32xf32, #tpu.memory_space<vmem>> -> memref<128x32xf32, #tpu.memory_space<vmem>>
    %dma_start3A_81 = arith.constant 0 : i32
    %dma_start3A_82 = tpu.memref_slice %arg10[%dma_start3A_77, %dma_start3A_81] : memref<4x128xi32, #tpu.memory_space<vmem>> -> memref<1x128xi32, #tpu.memory_space<vmem>>
    %dma_start3A_83 = tpu.memref_squeeze %dma_start3A_82 : memref<1x128xi32, #tpu.memory_space<vmem>> -> memref<128xi32, #tpu.memory_space<vmem>>
    %dma_start3A_84 = arith.constant 0 : i32
    %dma_start3A_85 = arith.constant 0 : i32
    %dma_start3A_86 = tpu.memref_slice %arg6[%dma_start3A_84, %dma_start3A_85] : memref<1000000x32xf32, #tpu.memory_space<hbm>> -> memref<1000000x32xf32, #tpu.memory_space<hbm>>
    tpu.enqueue_indirect_dma source(%dma_start3A_86 : memref<1000000x32xf32, #tpu.memory_space<hbm>>) target(%dma_start3A_80 : memref<128x32xf32, #tpu.memory_space<vmem>>) offsets(%dma_start3A_83 : memref<128xi32, #tpu.memory_space<vmem>>) semaphore(%arg17 : memref<!tpu.dma_semaphore, #tpu.memory_space<semaphore_mem>>)
    %dma_start3A_87 = arith.constant 1 : i32
    %dma_start3A_88 = arith.constant 128 : i32
    %dma_start3A_89 = arith.constant 0 : i32
    %dma_start3A_90 = tpu.memref_slice %arg14[%dma_start3A_88, %dma_start3A_89] : memref<512x32xf32, #tpu.memory_space<vmem>> -> memref<128x32xf32, #tpu.memory_space<vmem>>
    %dma_start3A_91 = arith.constant 0 : i32
    %dma_start3A_92 = tpu.memref_slice %arg11[%dma_start3A_87, %dma_start3A_91] : memref<4x128xi32, #tpu.memory_space<vmem>> -> memref<1x128xi32, #tpu.memory_space<vmem>>
    %dma_start3A_93 = tpu.memref_squeeze %dma_start3A_92 : memref<1x128xi32, #tpu.memory_space<vmem>> -> memref<128xi32, #tpu.memory_space<vmem>>
    %dma_start3A_94 = arith.constant 0 : i32
    %dma_start3A_95 = arith.constant 0 : i32
    %dma_start3A_96 = tpu.memref_slice %arg6[%dma_start3A_94, %dma_start3A_95] : memref<1000000x32xf32, #tpu.memory_space<hbm>> -> memref<1000000x32xf32, #tpu.memory_space<hbm>>
    tpu.enqueue_indirect_dma source(%dma_start3A_96 : memref<1000000x32xf32, #tpu.memory_space<hbm>>) target(%dma_start3A_90 : memref<128x32xf32, #tpu.memory_space<vmem>>) offsets(%dma_start3A_93 : memref<128xi32, #tpu.memory_space<vmem>>) semaphore(%arg17 : memref<!tpu.dma_semaphore, #tpu.memory_space<semaphore_mem>>)
    %dma_start3A_97 = arith.constant 2 : i32
    %dma_start3A_98 = arith.constant 256 : i32
    %dma_start3A_99 = arith.constant 0 : i32
    %dma_start3A_100 = tpu.memref_slice %arg12[%dma_start3A_98, %dma_start3A_99] : memref<512x32xf32, #tpu.memory_space<vmem>> -> memref<128x32xf32, #tpu.memory_space<vmem>>
    %dma_start3A_101 = arith.constant 0 : i32
    %dma_start3A_102 = tpu.memref_slice %arg9[%dma_start3A_97, %dma_start3A_101] : memref<4x128xi32, #tpu.memory_space<vmem>> -> memref<1x128xi32, #tpu.memory_space<vmem>>
    %dma_start3A_103 = tpu.memref_squeeze %dma_start3A_102 : memref<1x128xi32, #tpu.memory_space<vmem>> -> memref<128xi32, #tpu.memory_space<vmem>>
    %dma_start3A_104 = arith.constant 0 : i32
    %dma_start3A_105 = arith.constant 0 : i32
    %dma_start3A_106 = tpu.memref_slice %arg5[%dma_start3A_104, %dma_start3A_105] : memref<1000000x32xf32, #tpu.memory_space<hbm>> -> memref<1000000x32xf32, #tpu.memory_space<hbm>>
    tpu.enqueue_indirect_dma source(%dma_start3A_106 : memref<1000000x32xf32, #tpu.memory_space<hbm>>) target(%dma_start3A_100 : memref<128x32xf32, #tpu.memory_space<vmem>>) offsets(%dma_start3A_103 : memref<128xi32, #tpu.memory_space<vmem>>) semaphore(%arg17 : memref<!tpu.dma_semaphore, #tpu.memory_space<semaphore_mem>>)
    %dma_start3A_107 = arith.constant 2 : i32
    %dma_start3A_108 = arith.constant 256 : i32
    %dma_start3A_109 = arith.constant 0 : i32
    %dma_start3A_110 = tpu.memref_slice %arg13[%dma_start3A_108, %dma_start3A_109] : memref<512x32xf32, #tpu.memory_space<vmem>> -> memref<128x32xf32, #tpu.memory_space<vmem>>
    %dma_start3A_111 = arith.constant 0 : i32
    %dma_start3A_112 = tpu.memref_slice %arg10[%dma_start3A_107, %dma_start3A_111] : memref<4x128xi32, #tpu.memory_space<vmem>> -> memref<1x128xi32, #tpu.memory_space<vmem>>
    %dma_start3A_113 = tpu.memref_squeeze %dma_start3A_112 : memref<1x128xi32, #tpu.memory_space<vmem>> -> memref<128xi32, #tpu.memory_space<vmem>>
    %dma_start3A_114 = arith.constant 0 : i32
    %dma_start3A_115 = arith.constant 0 : i32
    %dma_start3A_116 = tpu.memref_slice %arg6[%dma_start3A_114, %dma_start3A_115] : memref<1000000x32xf32, #tpu.memory_space<hbm>> -> memref<1000000x32xf32, #tpu.memory_space<hbm>>
    tpu.enqueue_indirect_dma source(%dma_start3A_116 : memref<1000000x32xf32, #tpu.memory_space<hbm>>) target(%dma_start3A_110 : memref<128x32xf32, #tpu.memory_space<vmem>>) offsets(%dma_start3A_113 : memref<128xi32, #tpu.memory_space<vmem>>) semaphore(%arg17 : memref<!tpu.dma_semaphore, #tpu.memory_space<semaphore_mem>>)
    %dma_start3A_117 = arith.constant 2 : i32
    %dma_start3A_118 = arith.constant 256 : i32
    %dma_start3A_119 = arith.constant 0 : i32
    %dma_start3A_120 = tpu.memref_slice %arg14[%dma_start3A_118, %dma_start3A_119] : memref<512x32xf32, #tpu.memory_space<vmem>> -> memref<128x32xf32, #tpu.memory_space<vmem>>
    %dma_start3A_121 = arith.constant 0 : i32
    %dma_start3A_122 = tpu.memref_slice %arg11[%dma_start3A_117, %dma_start3A_121] : memref<4x128xi32, #tpu.memory_space<vmem>> -> memref<1x128xi32, #tpu.memory_space<vmem>>
    %dma_start3A_123 = tpu.memref_squeeze %dma_start3A_122 : memref<1x128xi32, #tpu.memory_space<vmem>> -> memref<128xi32, #tpu.memory_space<vmem>>
    %dma_start3A_124 = arith.constant 0 : i32
    %dma_start3A_125 = arith.constant 0 : i32
    %dma_start3A_126 = tpu.memref_slice %arg6[%dma_start3A_124, %dma_start3A_125] : memref<1000000x32xf32, #tpu.memory_space<hbm>> -> memref<1000000x32xf32, #tpu.memory_space<hbm>>
    tpu.enqueue_indirect_dma source(%dma_start3A_126 : memref<1000000x32xf32, #tpu.memory_space<hbm>>) target(%dma_start3A_120 : memref<128x32xf32, #tpu.memory_space<vmem>>) offsets(%dma_start3A_123 : memref<128xi32, #tpu.memory_space<vmem>>) semaphore(%arg17 : memref<!tpu.dma_semaphore, #tpu.memory_space<semaphore_mem>>)
    %dma_start3A_127 = arith.constant 3 : i32
    %dma_start3A_128 = arith.constant 384 : i32
    %dma_start3A_129 = arith.constant 0 : i32
    %dma_start3A_130 = tpu.memref_slice %arg12[%dma_start3A_128, %dma_start3A_129] : memref<512x32xf32, #tpu.memory_space<vmem>> -> memref<128x32xf32, #tpu.memory_space<vmem>>
    %dma_start3A_131 = arith.constant 0 : i32
    %dma_start3A_132 = tpu.memref_slice %arg9[%dma_start3A_127, %dma_start3A_131] : memref<4x128xi32, #tpu.memory_space<vmem>> -> memref<1x128xi32, #tpu.memory_space<vmem>>
    %dma_start3A_133 = tpu.memref_squeeze %dma_start3A_132 : memref<1x128xi32, #tpu.memory_space<vmem>> -> memref<128xi32, #tpu.memory_space<vmem>>
    %dma_start3A_134 = arith.constant 0 : i32
    %dma_start3A_135 = arith.constant 0 : i32
    %dma_start3A_136 = tpu.memref_slice %arg5[%dma_start3A_134, %dma_start3A_135] : memref<1000000x32xf32, #tpu.memory_space<hbm>> -> memref<1000000x32xf32, #tpu.memory_space<hbm>>
    tpu.enqueue_indirect_dma source(%dma_start3A_136 : memref<1000000x32xf32, #tpu.memory_space<hbm>>) target(%dma_start3A_130 : memref<128x32xf32, #tpu.memory_space<vmem>>) offsets(%dma_start3A_133 : memref<128xi32, #tpu.memory_space<vmem>>) semaphore(%arg17 : memref<!tpu.dma_semaphore, #tpu.memory_space<semaphore_mem>>)
    %dma_start3A_137 = arith.constant 3 : i32
    %dma_start3A_138 = arith.constant 384 : i32
    %dma_start3A_139 = arith.constant 0 : i32
    %dma_start3A_140 = tpu.memref_slice %arg13[%dma_start3A_138, %dma_start3A_139] : memref<512x32xf32, #tpu.memory_space<vmem>> -> memref<128x32xf32, #tpu.memory_space<vmem>>
    %dma_start3A_141 = arith.constant 0 : i32
    %dma_start3A_142 = tpu.memref_slice %arg10[%dma_start3A_137, %dma_start3A_141] : memref<4x128xi32, #tpu.memory_space<vmem>> -> memref<1x128xi32, #tpu.memory_space<vmem>>
    %dma_start3A_143 = tpu.memref_squeeze %dma_start3A_142 : memref<1x128xi32, #tpu.memory_space<vmem>> -> memref<128xi32, #tpu.memory_space<vmem>>
    %dma_start3A_144 = arith.constant 0 : i32
    %dma_start3A_145 = arith.constant 0 : i32
    %dma_start3A_146 = tpu.memref_slice %arg6[%dma_start3A_144, %dma_start3A_145] : memref<1000000x32xf32, #tpu.memory_space<hbm>> -> memref<1000000x32xf32, #tpu.memory_space<hbm>>
    tpu.enqueue_indirect_dma source(%dma_start3A_146 : memref<1000000x32xf32, #tpu.memory_space<hbm>>) target(%dma_start3A_140 : memref<128x32xf32, #tpu.memory_space<vmem>>) offsets(%dma_start3A_143 : memref<128xi32, #tpu.memory_space<vmem>>) semaphore(%arg17 : memref<!tpu.dma_semaphore, #tpu.memory_space<semaphore_mem>>)
    %dma_start3A_147 = arith.constant 3 : i32
    %dma_start3A_148 = arith.constant 384 : i32
    %dma_start3A_149 = arith.constant 0 : i32
    %dma_start3A_150 = tpu.memref_slice %arg14[%dma_start3A_148, %dma_start3A_149] : memref<512x32xf32, #tpu.memory_space<vmem>> -> memref<128x32xf32, #tpu.memory_space<vmem>>
    %dma_start3A_151 = arith.constant 0 : i32
    %dma_start3A_152 = tpu.memref_slice %arg11[%dma_start3A_147, %dma_start3A_151] : memref<4x128xi32, #tpu.memory_space<vmem>> -> memref<1x128xi32, #tpu.memory_space<vmem>>
    %dma_start3A_153 = tpu.memref_squeeze %dma_start3A_152 : memref<1x128xi32, #tpu.memory_space<vmem>> -> memref<128xi32, #tpu.memory_space<vmem>>
    %dma_start3A_154 = arith.constant 0 : i32
    %dma_start3A_155 = arith.constant 0 : i32
    %dma_start3A_156 = tpu.memref_slice %arg6[%dma_start3A_154, %dma_start3A_155] : memref<1000000x32xf32, #tpu.memory_space<hbm>> -> memref<1000000x32xf32, #tpu.memory_space<hbm>>
    tpu.enqueue_indirect_dma source(%dma_start3A_156 : memref<1000000x32xf32, #tpu.memory_space<hbm>>) target(%dma_start3A_150 : memref<128x32xf32, #tpu.memory_space<vmem>>) offsets(%dma_start3A_153 : memref<128xi32, #tpu.memory_space<vmem>>) semaphore(%arg17 : memref<!tpu.dma_semaphore, #tpu.memory_space<semaphore_mem>>)
    %dma_wait3A = arith.constant 0 : i32
    %dma_wait3A_157 = arith.constant 0 : i32
    %dma_wait3A_158 = arith.constant 0 : i32
    %dma_wait3A_159 = tpu.memref_slice %arg12[%dma_wait3A_157, %dma_wait3A_158] : memref<512x32xf32, #tpu.memory_space<vmem>> -> memref<128x32xf32, #tpu.memory_space<vmem>>
    %dma_wait3A_160 = arith.constant 0 : i32
    %dma_wait3A_161 = tpu.memref_slice %arg9[%dma_wait3A, %dma_wait3A_160] : memref<4x128xi32, #tpu.memory_space<vmem>> -> memref<1x128xi32, #tpu.memory_space<vmem>>
    %dma_wait3A_162 = tpu.memref_squeeze %dma_wait3A_161 : memref<1x128xi32, #tpu.memory_space<vmem>> -> memref<128xi32, #tpu.memory_space<vmem>>
    %dma_wait3A_163 = arith.constant 0 : i32
    %dma_wait3A_164 = arith.constant 0 : i32
    %dma_wait3A_165 = tpu.memref_slice %arg5[%dma_wait3A_163, %dma_wait3A_164] : memref<1000000x32xf32, #tpu.memory_space<hbm>> -> memref<1000000x32xf32, #tpu.memory_space<hbm>>
    tpu.wait_indirect_dma semaphore(%arg17 : memref<!tpu.dma_semaphore, #tpu.memory_space<semaphore_mem>>) src(%dma_wait3A_165 : memref<1000000x32xf32, #tpu.memory_space<hbm>>) dst(%dma_wait3A_159 : memref<128x32xf32, #tpu.memory_space<vmem>>)
    %dma_wait3A_166 = arith.constant 0 : i32
    %dma_wait3A_167 = arith.constant 0 : i32
    %dma_wait3A_168 = arith.constant 0 : i32
    %dma_wait3A_169 = tpu.memref_slice %arg13[%dma_wait3A_167, %dma_wait3A_168] : memref<512x32xf32, #tpu.memory_space<vmem>> -> memref<128x32xf32, #tpu.memory_space<vmem>>
    %dma_wait3A_170 = arith.constant 0 : i32
    %dma_wait3A_171 = tpu.memref_slice %arg10[%dma_wait3A_166, %dma_wait3A_170] : memref<4x128xi32, #tpu.memory_space<vmem>> -> memref<1x128xi32, #tpu.memory_space<vmem>>
    %dma_wait3A_172 = tpu.memref_squeeze %dma_wait3A_171 : memref<1x128xi32, #tpu.memory_space<vmem>> -> memref<128xi32, #tpu.memory_space<vmem>>
    %dma_wait3A_173 = arith.constant 0 : i32
    %dma_wait3A_174 = arith.constant 0 : i32
    %dma_wait3A_175 = tpu.memref_slice %arg6[%dma_wait3A_173, %dma_wait3A_174] : memref<1000000x32xf32, #tpu.memory_space<hbm>> -> memref<1000000x32xf32, #tpu.memory_space<hbm>>
    tpu.wait_indirect_dma semaphore(%arg17 : memref<!tpu.dma_semaphore, #tpu.memory_space<semaphore_mem>>) src(%dma_wait3A_175 : memref<1000000x32xf32, #tpu.memory_space<hbm>>) dst(%dma_wait3A_169 : memref<128x32xf32, #tpu.memory_space<vmem>>)
    %dma_wait3A_176 = arith.constant 0 : i32
    %dma_wait3A_177 = arith.constant 0 : i32
    %dma_wait3A_178 = arith.constant 0 : i32
    %dma_wait3A_179 = tpu.memref_slice %arg14[%dma_wait3A_177, %dma_wait3A_178] : memref<512x32xf32, #tpu.memory_space<vmem>> -> memref<128x32xf32, #tpu.memory_space<vmem>>
    %dma_wait3A_180 = arith.constant 0 : i32
    %dma_wait3A_181 = tpu.memref_slice %arg11[%dma_wait3A_176, %dma_wait3A_180] : memref<4x128xi32, #tpu.memory_space<vmem>> -> memref<1x128xi32, #tpu.memory_space<vmem>>
    %dma_wait3A_182 = tpu.memref_squeeze %dma_wait3A_181 : memref<1x128xi32, #tpu.memory_space<vmem>> -> memref<128xi32, #tpu.memory_space<vmem>>
    %dma_wait3A_183 = arith.constant 0 : i32
    %dma_wait3A_184 = arith.constant 0 : i32
    %dma_wait3A_185 = tpu.memref_slice %arg6[%dma_wait3A_183, %dma_wait3A_184] : memref<1000000x32xf32, #tpu.memory_space<hbm>> -> memref<1000000x32xf32, #tpu.memory_space<hbm>>
    tpu.wait_indirect_dma semaphore(%arg17 : memref<!tpu.dma_semaphore, #tpu.memory_space<semaphore_mem>>) src(%dma_wait3A_185 : memref<1000000x32xf32, #tpu.memory_space<hbm>>) dst(%dma_wait3A_179 : memref<128x32xf32, #tpu.memory_space<vmem>>)
    %dma_wait3A_186 = arith.constant 1 : i32
    %dma_wait3A_187 = arith.constant 128 : i32
    %dma_wait3A_188 = arith.constant 0 : i32
    %dma_wait3A_189 = tpu.memref_slice %arg12[%dma_wait3A_187, %dma_wait3A_188] : memref<512x32xf32, #tpu.memory_space<vmem>> -> memref<128x32xf32, #tpu.memory_space<vmem>>
    %dma_wait3A_190 = arith.constant 0 : i32
    %dma_wait3A_191 = tpu.memref_slice %arg9[%dma_wait3A_186, %dma_wait3A_190] : memref<4x128xi32, #tpu.memory_space<vmem>> -> memref<1x128xi32, #tpu.memory_space<vmem>>
    %dma_wait3A_192 = tpu.memref_squeeze %dma_wait3A_191 : memref<1x128xi32, #tpu.memory_space<vmem>> -> memref<128xi32, #tpu.memory_space<vmem>>
    %dma_wait3A_193 = arith.constant 0 : i32
    %dma_wait3A_194 = arith.constant 0 : i32
    %dma_wait3A_195 = tpu.memref_slice %arg5[%dma_wait3A_193, %dma_wait3A_194] : memref<1000000x32xf32, #tpu.memory_space<hbm>> -> memref<1000000x32xf32, #tpu.memory_space<hbm>>
    tpu.wait_indirect_dma semaphore(%arg17 : memref<!tpu.dma_semaphore, #tpu.memory_space<semaphore_mem>>) src(%dma_wait3A_195 : memref<1000000x32xf32, #tpu.memory_space<hbm>>) dst(%dma_wait3A_189 : memref<128x32xf32, #tpu.memory_space<vmem>>)
    %dma_wait3A_196 = arith.constant 1 : i32
    %dma_wait3A_197 = arith.constant 128 : i32
    %dma_wait3A_198 = arith.constant 0 : i32
    %dma_wait3A_199 = tpu.memref_slice %arg13[%dma_wait3A_197, %dma_wait3A_198] : memref<512x32xf32, #tpu.memory_space<vmem>> -> memref<128x32xf32, #tpu.memory_space<vmem>>
    %dma_wait3A_200 = arith.constant 0 : i32
    %dma_wait3A_201 = tpu.memref_slice %arg10[%dma_wait3A_196, %dma_wait3A_200] : memref<4x128xi32, #tpu.memory_space<vmem>> -> memref<1x128xi32, #tpu.memory_space<vmem>>
    %dma_wait3A_202 = tpu.memref_squeeze %dma_wait3A_201 : memref<1x128xi32, #tpu.memory_space<vmem>> -> memref<128xi32, #tpu.memory_space<vmem>>
    %dma_wait3A_203 = arith.constant 0 : i32
    %dma_wait3A_204 = arith.constant 0 : i32
    %dma_wait3A_205 = tpu.memref_slice %arg6[%dma_wait3A_203, %dma_wait3A_204] : memref<1000000x32xf32, #tpu.memory_space<hbm>> -> memref<1000000x32xf32, #tpu.memory_space<hbm>>
    tpu.wait_indirect_dma semaphore(%arg17 : memref<!tpu.dma_semaphore, #tpu.memory_space<semaphore_mem>>) src(%dma_wait3A_205 : memref<1000000x32xf32, #tpu.memory_space<hbm>>) dst(%dma_wait3A_199 : memref<128x32xf32, #tpu.memory_space<vmem>>)
    %dma_wait3A_206 = arith.constant 1 : i32
    %dma_wait3A_207 = arith.constant 128 : i32
    %dma_wait3A_208 = arith.constant 0 : i32
    %dma_wait3A_209 = tpu.memref_slice %arg14[%dma_wait3A_207, %dma_wait3A_208] : memref<512x32xf32, #tpu.memory_space<vmem>> -> memref<128x32xf32, #tpu.memory_space<vmem>>
    %dma_wait3A_210 = arith.constant 0 : i32
    %dma_wait3A_211 = tpu.memref_slice %arg11[%dma_wait3A_206, %dma_wait3A_210] : memref<4x128xi32, #tpu.memory_space<vmem>> -> memref<1x128xi32, #tpu.memory_space<vmem>>
    %dma_wait3A_212 = tpu.memref_squeeze %dma_wait3A_211 : memref<1x128xi32, #tpu.memory_space<vmem>> -> memref<128xi32, #tpu.memory_space<vmem>>
    %dma_wait3A_213 = arith.constant 0 : i32
    %dma_wait3A_214 = arith.constant 0 : i32
    %dma_wait3A_215 = tpu.memref_slice %arg6[%dma_wait3A_213, %dma_wait3A_214] : memref<1000000x32xf32, #tpu.memory_space<hbm>> -> memref<1000000x32xf32, #tpu.memory_space<hbm>>
    tpu.wait_indirect_dma semaphore(%arg17 : memref<!tpu.dma_semaphore, #tpu.memory_space<semaphore_mem>>) src(%dma_wait3A_215 : memref<1000000x32xf32, #tpu.memory_space<hbm>>) dst(%dma_wait3A_209 : memref<128x32xf32, #tpu.memory_space<vmem>>)
    %dma_wait3A_216 = arith.constant 2 : i32
    %dma_wait3A_217 = arith.constant 256 : i32
    %dma_wait3A_218 = arith.constant 0 : i32
    %dma_wait3A_219 = tpu.memref_slice %arg12[%dma_wait3A_217, %dma_wait3A_218] : memref<512x32xf32, #tpu.memory_space<vmem>> -> memref<128x32xf32, #tpu.memory_space<vmem>>
    %dma_wait3A_220 = arith.constant 0 : i32
    %dma_wait3A_221 = tpu.memref_slice %arg9[%dma_wait3A_216, %dma_wait3A_220] : memref<4x128xi32, #tpu.memory_space<vmem>> -> memref<1x128xi32, #tpu.memory_space<vmem>>
    %dma_wait3A_222 = tpu.memref_squeeze %dma_wait3A_221 : memref<1x128xi32, #tpu.memory_space<vmem>> -> memref<128xi32, #tpu.memory_space<vmem>>
    %dma_wait3A_223 = arith.constant 0 : i32
    %dma_wait3A_224 = arith.constant 0 : i32
    %dma_wait3A_225 = tpu.memref_slice %arg5[%dma_wait3A_223, %dma_wait3A_224] : memref<1000000x32xf32, #tpu.memory_space<hbm>> -> memref<1000000x32xf32, #tpu.memory_space<hbm>>
    tpu.wait_indirect_dma semaphore(%arg17 : memref<!tpu.dma_semaphore, #tpu.memory_space<semaphore_mem>>) src(%dma_wait3A_225 : memref<1000000x32xf32, #tpu.memory_space<hbm>>) dst(%dma_wait3A_219 : memref<128x32xf32, #tpu.memory_space<vmem>>)
    %dma_wait3A_226 = arith.constant 2 : i32
    %dma_wait3A_227 = arith.constant 256 : i32
    %dma_wait3A_228 = arith.constant 0 : i32
    %dma_wait3A_229 = tpu.memref_slice %arg13[%dma_wait3A_227, %dma_wait3A_228] : memref<512x32xf32, #tpu.memory_space<vmem>> -> memref<128x32xf32, #tpu.memory_space<vmem>>
    %dma_wait3A_230 = arith.constant 0 : i32
    %dma_wait3A_231 = tpu.memref_slice %arg10[%dma_wait3A_226, %dma_wait3A_230] : memref<4x128xi32, #tpu.memory_space<vmem>> -> memref<1x128xi32, #tpu.memory_space<vmem>>
    %dma_wait3A_232 = tpu.memref_squeeze %dma_wait3A_231 : memref<1x128xi32, #tpu.memory_space<vmem>> -> memref<128xi32, #tpu.memory_space<vmem>>
    %dma_wait3A_233 = arith.constant 0 : i32
    %dma_wait3A_234 = arith.constant 0 : i32
    %dma_wait3A_235 = tpu.memref_slice %arg6[%dma_wait3A_233, %dma_wait3A_234] : memref<1000000x32xf32, #tpu.memory_space<hbm>> -> memref<1000000x32xf32, #tpu.memory_space<hbm>>
    tpu.wait_indirect_dma semaphore(%arg17 : memref<!tpu.dma_semaphore, #tpu.memory_space<semaphore_mem>>) src(%dma_wait3A_235 : memref<1000000x32xf32, #tpu.memory_space<hbm>>) dst(%dma_wait3A_229 : memref<128x32xf32, #tpu.memory_space<vmem>>)
    %dma_wait3A_236 = arith.constant 2 : i32
    %dma_wait3A_237 = arith.constant 256 : i32
    %dma_wait3A_238 = arith.constant 0 : i32
    %dma_wait3A_239 = tpu.memref_slice %arg14[%dma_wait3A_237, %dma_wait3A_238] : memref<512x32xf32, #tpu.memory_space<vmem>> -> memref<128x32xf32, #tpu.memory_space<vmem>>
    %dma_wait3A_240 = arith.constant 0 : i32
    %dma_wait3A_241 = tpu.memref_slice %arg11[%dma_wait3A_236, %dma_wait3A_240] : memref<4x128xi32, #tpu.memory_space<vmem>> -> memref<1x128xi32, #tpu.memory_space<vmem>>
    %dma_wait3A_242 = tpu.memref_squeeze %dma_wait3A_241 : memref<1x128xi32, #tpu.memory_space<vmem>> -> memref<128xi32, #tpu.memory_space<vmem>>
    %dma_wait3A_243 = arith.constant 0 : i32
    %dma_wait3A_244 = arith.constant 0 : i32
    %dma_wait3A_245 = tpu.memref_slice %arg6[%dma_wait3A_243, %dma_wait3A_244] : memref<1000000x32xf32, #tpu.memory_space<hbm>> -> memref<1000000x32xf32, #tpu.memory_space<hbm>>
    tpu.wait_indirect_dma semaphore(%arg17 : memref<!tpu.dma_semaphore, #tpu.memory_space<semaphore_mem>>) src(%dma_wait3A_245 : memref<1000000x32xf32, #tpu.memory_space<hbm>>) dst(%dma_wait3A_239 : memref<128x32xf32, #tpu.memory_space<vmem>>)
    %dma_wait3A_246 = arith.constant 3 : i32
    %dma_wait3A_247 = arith.constant 384 : i32
    %dma_wait3A_248 = arith.constant 0 : i32
    %dma_wait3A_249 = tpu.memref_slice %arg12[%dma_wait3A_247, %dma_wait3A_248] : memref<512x32xf32, #tpu.memory_space<vmem>> -> memref<128x32xf32, #tpu.memory_space<vmem>>
    %dma_wait3A_250 = arith.constant 0 : i32
    %dma_wait3A_251 = tpu.memref_slice %arg9[%dma_wait3A_246, %dma_wait3A_250] : memref<4x128xi32, #tpu.memory_space<vmem>> -> memref<1x128xi32, #tpu.memory_space<vmem>>
    %dma_wait3A_252 = tpu.memref_squeeze %dma_wait3A_251 : memref<1x128xi32, #tpu.memory_space<vmem>> -> memref<128xi32, #tpu.memory_space<vmem>>
    %dma_wait3A_253 = arith.constant 0 : i32
    %dma_wait3A_254 = arith.constant 0 : i32
    %dma_wait3A_255 = tpu.memref_slice %arg5[%dma_wait3A_253, %dma_wait3A_254] : memref<1000000x32xf32, #tpu.memory_space<hbm>> -> memref<1000000x32xf32, #tpu.memory_space<hbm>>
    tpu.wait_indirect_dma semaphore(%arg17 : memref<!tpu.dma_semaphore, #tpu.memory_space<semaphore_mem>>) src(%dma_wait3A_255 : memref<1000000x32xf32, #tpu.memory_space<hbm>>) dst(%dma_wait3A_249 : memref<128x32xf32, #tpu.memory_space<vmem>>)
    %dma_wait3A_256 = arith.constant 3 : i32
    %dma_wait3A_257 = arith.constant 384 : i32
    %dma_wait3A_258 = arith.constant 0 : i32
    %dma_wait3A_259 = tpu.memref_slice %arg13[%dma_wait3A_257, %dma_wait3A_258] : memref<512x32xf32, #tpu.memory_space<vmem>> -> memref<128x32xf32, #tpu.memory_space<vmem>>
    %dma_wait3A_260 = arith.constant 0 : i32
    %dma_wait3A_261 = tpu.memref_slice %arg10[%dma_wait3A_256, %dma_wait3A_260] : memref<4x128xi32, #tpu.memory_space<vmem>> -> memref<1x128xi32, #tpu.memory_space<vmem>>
    %dma_wait3A_262 = tpu.memref_squeeze %dma_wait3A_261 : memref<1x128xi32, #tpu.memory_space<vmem>> -> memref<128xi32, #tpu.memory_space<vmem>>
    %dma_wait3A_263 = arith.constant 0 : i32
    %dma_wait3A_264 = arith.constant 0 : i32
    %dma_wait3A_265 = tpu.memref_slice %arg6[%dma_wait3A_263, %dma_wait3A_264] : memref<1000000x32xf32, #tpu.memory_space<hbm>> -> memref<1000000x32xf32, #tpu.memory_space<hbm>>
    tpu.wait_indirect_dma semaphore(%arg17 : memref<!tpu.dma_semaphore, #tpu.memory_space<semaphore_mem>>) src(%dma_wait3A_265 : memref<1000000x32xf32, #tpu.memory_space<hbm>>) dst(%dma_wait3A_259 : memref<128x32xf32, #tpu.memory_space<vmem>>)
    %dma_wait3A_266 = arith.constant 3 : i32
    %dma_wait3A_267 = arith.constant 384 : i32
    %dma_wait3A_268 = arith.constant 0 : i32
    %dma_wait3A_269 = tpu.memref_slice %arg14[%dma_wait3A_267, %dma_wait3A_268] : memref<512x32xf32, #tpu.memory_space<vmem>> -> memref<128x32xf32, #tpu.memory_space<vmem>>
    %dma_wait3A_270 = arith.constant 0 : i32
    %dma_wait3A_271 = tpu.memref_slice %arg11[%dma_wait3A_266, %dma_wait3A_270] : memref<4x128xi32, #tpu.memory_space<vmem>> -> memref<1x128xi32, #tpu.memory_space<vmem>>
    %dma_wait3A_272 = tpu.memref_squeeze %dma_wait3A_271 : memref<1x128xi32, #tpu.memory_space<vmem>> -> memref<128xi32, #tpu.memory_space<vmem>>
    %dma_wait3A_273 = arith.constant 0 : i32
    %dma_wait3A_274 = arith.constant 0 : i32
    %dma_wait3A_275 = tpu.memref_slice %arg6[%dma_wait3A_273, %dma_wait3A_274] : memref<1000000x32xf32, #tpu.memory_space<hbm>> -> memref<1000000x32xf32, #tpu.memory_space<hbm>>
    tpu.wait_indirect_dma semaphore(%arg17 : memref<!tpu.dma_semaphore, #tpu.memory_space<semaphore_mem>>) src(%dma_wait3A_275 : memref<1000000x32xf32, #tpu.memory_space<hbm>>) dst(%dma_wait3A_269 : memref<128x32xf32, #tpu.memory_space<vmem>>)
    %iota3A = tpu.iota {dimensions = array<i32: 0>} : vector<16xi32>
    %scan3A = arith.constant 0 : i32
    %scan3A_276 = arith.constant 0 : i32
    %scan3A_277 = arith.constant 32 : i32
    %scan3A_278 = arith.addi %scan3A_276, %scan3A_277 : i32
    %scan3A_279 = arith.constant 1 : i32
    %scan3A_280 = scf.for %scan3A_282 = %scan3A_276 to %scan3A_278 step %scan3A_279 iter_args(%scan3A_283 = %scan3A) -> (i32)  : i32 {
      %mul3A_284 = arith.constant 16 : i32
      %mul3A_285 = arith.muli %scan3A_282, %mul3A_284 : i32
      %add3A_286 = vector.broadcast %mul3A_285 : i32 to vector<16xi32>
      %add3A_287 = arith.addi %add3A_286, %iota3A : vector<16xi32>
      %broadcast_in_dim3A = arith.constant 0.000000e+00 : f32
      %broadcast_in_dim3A_288 = vector.broadcast %broadcast_in_dim3A : f32 to vector<16xf32>
      %broadcast_in_dim3A_289 = arith.constant 0.000000e+00 : f32
      %broadcast_in_dim3A_290 = vector.broadcast %broadcast_in_dim3A_289 : f32 to vector<16xf32>
      %broadcast_in_dim3A_291 = arith.constant 0 : i32
      %broadcast_in_dim3A_292 = vector.broadcast %broadcast_in_dim3A_291 : i32 to vector<16xi32>
      %gather3A = tpu.vector_load_idx %arg12[%add3A_287, %broadcast_in_dim3A_292] : memref<512x32xf32, #tpu.memory_space<vmem>>[vector<16xi32>, vector<16xi32>], vector<16xf32>,
      %gather3A_293 = tpu.vector_load_idx %arg13[%add3A_287, %broadcast_in_dim3A_292] : memref<512x32xf32, #tpu.memory_space<vmem>>[vector<16xi32>, vector<16xi32>], vector<16xf32>,
      %gather3A_294 = tpu.vector_load_idx %arg14[%add3A_287, %broadcast_in_dim3A_292] : memref<512x32xf32, #tpu.memory_space<vmem>>[vector<16xi32>, vector<16xi32>], vector<16xf32>,
      %mul3A_295 = arith.mulf %gather3A, %gather3A_293 : vector<16xf32>
      %add3A_296 = arith.addf %broadcast_in_dim3A_288, %mul3A_295 : vector<16xf32>
      %mul3A_297 = arith.mulf %gather3A, %gather3A_294 : vector<16xf32>
      %add3A_298 = arith.addf %broadcast_in_dim3A_290, %mul3A_297 : vector<16xf32>
      %broadcast_in_dim3A_299 = arith.constant 1 : i32
      %broadcast_in_dim3A_300 = vector.broadcast %broadcast_in_dim3A_299 : i32 to vector<16xi32>
      %gather3A_301 = tpu.vector_load_idx %arg12[%add3A_287, %broadcast_in_dim3A_300] : memref<512x32xf32, #tpu.memory_space<vmem>>[vector<16xi32>, vector<16xi32>], vector<16xf32>,
      %gather3A_302 = tpu.vector_load_idx %arg13[%add3A_287, %broadcast_in_dim3A_300] : memref<512x32xf32, #tpu.memory_space<vmem>>[vector<16xi32>, vector<16xi32>], vector<16xf32>,
      %gather3A_303 = tpu.vector_load_idx %arg14[%add3A_287, %broadcast_in_dim3A_300] : memref<512x32xf32, #tpu.memory_space<vmem>>[vector<16xi32>, vector<16xi32>], vector<16xf32>,
      %mul3A_304 = arith.mulf %gather3A_301, %gather3A_302 : vector<16xf32>
      %add3A_305 = arith.addf %add3A_296, %mul3A_304 : vector<16xf32>
      %mul3A_306 = arith.mulf %gather3A_301, %gather3A_303 : vector<16xf32>
      %add3A_307 = arith.addf %add3A_298, %mul3A_306 : vector<16xf32>
      %broadcast_in_dim3A_308 = arith.constant 2 : i32
      %broadcast_in_dim3A_309 = vector.broadcast %broadcast_in_dim3A_308 : i32 to vector<16xi32>
      %gather3A_310 = tpu.vector_load_idx %arg12[%add3A_287, %broadcast_in_dim3A_309] : memref<512x32xf32, #tpu.memory_space<vmem>>[vector<16xi32>, vector<16xi32>], vector<16xf32>,
      %gather3A_311 = tpu.vector_load_idx %arg13[%add3A_287, %broadcast_in_dim3A_309] : memref<512x32xf32, #tpu.memory_space<vmem>>[vector<16xi32>, vector<16xi32>], vector<16xf32>,
      %gather3A_312 = tpu.vector_load_idx %arg14[%add3A_287, %broadcast_in_dim3A_309] : memref<512x32xf32, #tpu.memory_space<vmem>>[vector<16xi32>, vector<16xi32>], vector<16xf32>,
      %mul3A_313 = arith.mulf %gather3A_310, %gather3A_311 : vector<16xf32>
      %add3A_314 = arith.addf %add3A_305, %mul3A_313 : vector<16xf32>
      %mul3A_315 = arith.mulf %gather3A_310, %gather3A_312 : vector<16xf32>
      %add3A_316 = arith.addf %add3A_307, %mul3A_315 : vector<16xf32>
      %broadcast_in_dim3A_317 = arith.constant 3 : i32
      %broadcast_in_dim3A_318 = vector.broadcast %broadcast_in_dim3A_317 : i32 to vector<16xi32>
      %gather3A_319 = tpu.vector_load_idx %arg12[%add3A_287, %broadcast_in_dim3A_318] : memref<512x32xf32, #tpu.memory_space<vmem>>[vector<16xi32>, vector<16xi32>], vector<16xf32>,
      %gather3A_320 = tpu.vector_load_idx %arg13[%add3A_287, %broadcast_in_dim3A_318] : memref<512x32xf32, #tpu.memory_space<vmem>>[vector<16xi32>, vector<16xi32>], vector<16xf32>,
      %gather3A_321 = tpu.vector_load_idx %arg14[%add3A_287, %broadcast_in_dim3A_318] : memref<512x32xf32, #tpu.memory_space<vmem>>[vector<16xi32>, vector<16xi32>], vector<16xf32>,
      %mul3A_322 = arith.mulf %gather3A_319, %gather3A_320 : vector<16xf32>
      %add3A_323 = arith.addf %add3A_314, %mul3A_322 : vector<16xf32>
      %mul3A_324 = arith.mulf %gather3A_319, %gather3A_321 : vector<16xf32>
      %add3A_325 = arith.addf %add3A_316, %mul3A_324 : vector<16xf32>
      %broadcast_in_dim3A_326 = arith.constant 4 : i32
      %broadcast_in_dim3A_327 = vector.broadcast %broadcast_in_dim3A_326 : i32 to vector<16xi32>
      %gather3A_328 = tpu.vector_load_idx %arg12[%add3A_287, %broadcast_in_dim3A_327] : memref<512x32xf32, #tpu.memory_space<vmem>>[vector<16xi32>, vector<16xi32>], vector<16xf32>,
      %gather3A_329 = tpu.vector_load_idx %arg13[%add3A_287, %broadcast_in_dim3A_327] : memref<512x32xf32, #tpu.memory_space<vmem>>[vector<16xi32>, vector<16xi32>], vector<16xf32>,
      %gather3A_330 = tpu.vector_load_idx %arg14[%add3A_287, %broadcast_in_dim3A_327] : memref<512x32xf32, #tpu.memory_space<vmem>>[vector<16xi32>, vector<16xi32>], vector<16xf32>,
      %mul3A_331 = arith.mulf %gather3A_328, %gather3A_329 : vector<16xf32>
      %add3A_332 = arith.addf %add3A_323, %mul3A_331 : vector<16xf32>
      %mul3A_333 = arith.mulf %gather3A_328, %gather3A_330 : vector<16xf32>
      %add3A_334 = arith.addf %add3A_325, %mul3A_333 : vector<16xf32>
      %broadcast_in_dim3A_335 = arith.constant 5 : i32
      %broadcast_in_dim3A_336 = vector.broadcast %broadcast_in_dim3A_335 : i32 to vector<16xi32>
      %gather3A_337 = tpu.vector_load_idx %arg12[%add3A_287, %broadcast_in_dim3A_336] : memref<512x32xf32, #tpu.memory_space<vmem>>[vector<16xi32>, vector<16xi32>], vector<16xf32>,
      %gather3A_338 = tpu.vector_load_idx %arg13[%add3A_287, %broadcast_in_dim3A_336] : memref<512x32xf32, #tpu.memory_space<vmem>>[vector<16xi32>, vector<16xi32>], vector<16xf32>,
      %gather3A_339 = tpu.vector_load_idx %arg14[%add3A_287, %broadcast_in_dim3A_336] : memref<512x32xf32, #tpu.memory_space<vmem>>[vector<16xi32>, vector<16xi32>], vector<16xf32>,
      %mul3A_340 = arith.mulf %gather3A_337, %gather3A_338 : vector<16xf32>
      %add3A_341 = arith.addf %add3A_332, %mul3A_340 : vector<16xf32>
      %mul3A_342 = arith.mulf %gather3A_337, %gather3A_339 : vector<16xf32>
      %add3A_343 = arith.addf %add3A_334, %mul3A_342 : vector<16xf32>
      %broadcast_in_dim3A_344 = arith.constant 6 : i32
      %broadcast_in_dim3A_345 = vector.broadcast %broadcast_in_dim3A_344 : i32 to vector<16xi32>
      %gather3A_346 = tpu.vector_load_idx %arg12[%add3A_287, %broadcast_in_dim3A_345] : memref<512x32xf32, #tpu.memory_space<vmem>>[vector<16xi32>, vector<16xi32>], vector<16xf32>,
      %gather3A_347 = tpu.vector_load_idx %arg13[%add3A_287, %broadcast_in_dim3A_345] : memref<512x32xf32, #tpu.memory_space<vmem>>[vector<16xi32>, vector<16xi32>], vector<16xf32>,
      %gather3A_348 = tpu.vector_load_idx %arg14[%add3A_287, %broadcast_in_dim3A_345] : memref<512x32xf32, #tpu.memory_space<vmem>>[vector<16xi32>, vector<16xi32>], vector<16xf32>,
      %mul3A_349 = arith.mulf %gather3A_346, %gather3A_347 : vector<16xf32>
      %add3A_350 = arith.addf %add3A_341, %mul3A_349 : vector<16xf32>
      %mul3A_351 = arith.mulf %gather3A_346, %gather3A_348 : vector<16xf32>
      %add3A_352 = arith.addf %add3A_343, %mul3A_351 : vector<16xf32>
      %broadcast_in_dim3A_353 = arith.constant 7 : i32
      %broadcast_in_dim3A_354 = vector.broadcast %broadcast_in_dim3A_353 : i32 to vector<16xi32>
      %gather3A_355 = tpu.vector_load_idx %arg12[%add3A_287, %broadcast_in_dim3A_354] : memref<512x32xf32, #tpu.memory_space<vmem>>[vector<16xi32>, vector<16xi32>], vector<16xf32>,
      %gather3A_356 = tpu.vector_load_idx %arg13[%add3A_287, %broadcast_in_dim3A_354] : memref<512x32xf32, #tpu.memory_space<vmem>>[vector<16xi32>, vector<16xi32>], vector<16xf32>,
      %gather3A_357 = tpu.vector_load_idx %arg14[%add3A_287, %broadcast_in_dim3A_354] : memref<512x32xf32, #tpu.memory_space<vmem>>[vector<16xi32>, vector<16xi32>], vector<16xf32>,
      %mul3A_358 = arith.mulf %gather3A_355, %gather3A_356 : vector<16xf32>
      %add3A_359 = arith.addf %add3A_350, %mul3A_358 : vector<16xf32>
      %mul3A_360 = arith.mulf %gather3A_355, %gather3A_357 : vector<16xf32>
      %add3A_361 = arith.addf %add3A_352, %mul3A_360 : vector<16xf32>
      %broadcast_in_dim3A_362 = arith.constant 8 : i32
      %broadcast_in_dim3A_363 = vector.broadcast %broadcast_in_dim3A_362 : i32 to vector<16xi32>
      %gather3A_364 = tpu.vector_load_idx %arg12[%add3A_287, %broadcast_in_dim3A_363] : memref<512x32xf32, #tpu.memory_space<vmem>>[vector<16xi32>, vector<16xi32>], vector<16xf32>,
      %gather3A_365 = tpu.vector_load_idx %arg13[%add3A_287, %broadcast_in_dim3A_363] : memref<512x32xf32, #tpu.memory_space<vmem>>[vector<16xi32>, vector<16xi32>], vector<16xf32>,
      %gather3A_366 = tpu.vector_load_idx %arg14[%add3A_287, %broadcast_in_dim3A_363] : memref<512x32xf32, #tpu.memory_space<vmem>>[vector<16xi32>, vector<16xi32>], vector<16xf32>,
      %mul3A_367 = arith.mulf %gather3A_364, %gather3A_365 : vector<16xf32>
      %add3A_368 = arith.addf %add3A_359, %mul3A_367 : vector<16xf32>
      %mul3A_369 = arith.mulf %gather3A_364, %gather3A_366 : vector<16xf32>
      %add3A_370 = arith.addf %add3A_361, %mul3A_369 : vector<16xf32>
      %broadcast_in_dim3A_371 = arith.constant 9 : i32
      %broadcast_in_dim3A_372 = vector.broadcast %broadcast_in_dim3A_371 : i32 to vector<16xi32>
      %gather3A_373 = tpu.vector_load_idx %arg12[%add3A_287, %broadcast_in_dim3A_372] : memref<512x32xf32, #tpu.memory_space<vmem>>[vector<16xi32>, vector<16xi32>], vector<16xf32>,
      %gather3A_374 = tpu.vector_load_idx %arg13[%add3A_287, %broadcast_in_dim3A_372] : memref<512x32xf32, #tpu.memory_space<vmem>>[vector<16xi32>, vector<16xi32>], vector<16xf32>,
      %gather3A_375 = tpu.vector_load_idx %arg14[%add3A_287, %broadcast_in_dim3A_372] : memref<512x32xf32, #tpu.memory_space<vmem>>[vector<16xi32>, vector<16xi32>], vector<16xf32>,
      %mul3A_376 = arith.mulf %gather3A_373, %gather3A_374 : vector<16xf32>
      %add3A_377 = arith.addf %add3A_368, %mul3A_376 : vector<16xf32>
      %mul3A_378 = arith.mulf %gather3A_373, %gather3A_375 : vector<16xf32>
      %add3A_379 = arith.addf %add3A_370, %mul3A_378 : vector<16xf32>
      %broadcast_in_dim3A_380 = arith.constant 10 : i32
      %broadcast_in_dim3A_381 = vector.broadcast %broadcast_in_dim3A_380 : i32 to vector<16xi32>
      %gather3A_382 = tpu.vector_load_idx %arg12[%add3A_287, %broadcast_in_dim3A_381] : memref<512x32xf32, #tpu.memory_space<vmem>>[vector<16xi32>, vector<16xi32>], vector<16xf32>,
      %gather3A_383 = tpu.vector_load_idx %arg13[%add3A_287, %broadcast_in_dim3A_381] : memref<512x32xf32, #tpu.memory_space<vmem>>[vector<16xi32>, vector<16xi32>], vector<16xf32>,
      %gather3A_384 = tpu.vector_load_idx %arg14[%add3A_287, %broadcast_in_dim3A_381] : memref<512x32xf32, #tpu.memory_space<vmem>>[vector<16xi32>, vector<16xi32>], vector<16xf32>,
      %mul3A_385 = arith.mulf %gather3A_382, %gather3A_383 : vector<16xf32>
      %add3A_386 = arith.addf %add3A_377, %mul3A_385 : vector<16xf32>
      %mul3A_387 = arith.mulf %gather3A_382, %gather3A_384 : vector<16xf32>
      %add3A_388 = arith.addf %add3A_379, %mul3A_387 : vector<16xf32>
      %broadcast_in_dim3A_389 = arith.constant 11 : i32
      %broadcast_in_dim3A_390 = vector.broadcast %broadcast_in_dim3A_389 : i32 to vector<16xi32>
      %gather3A_391 = tpu.vector_load_idx %arg12[%add3A_287, %broadcast_in_dim3A_390] : memref<512x32xf32, #tpu.memory_space<vmem>>[vector<16xi32>, vector<16xi32>], vector<16xf32>,
      %gather3A_392 = tpu.vector_load_idx %arg13[%add3A_287, %broadcast_in_dim3A_390] : memref<512x32xf32, #tpu.memory_space<vmem>>[vector<16xi32>, vector<16xi32>], vector<16xf32>,
      %gather3A_393 = tpu.vector_load_idx %arg14[%add3A_287, %broadcast_in_dim3A_390] : memref<512x32xf32, #tpu.memory_space<vmem>>[vector<16xi32>, vector<16xi32>], vector<16xf32>,
      %mul3A_394 = arith.mulf %gather3A_391, %gather3A_392 : vector<16xf32>
      %add3A_395 = arith.addf %add3A_386, %mul3A_394 : vector<16xf32>
      %mul3A_396 = arith.mulf %gather3A_391, %gather3A_393 : vector<16xf32>
      %add3A_397 = arith.addf %add3A_388, %mul3A_396 : vector<16xf32>
      %broadcast_in_dim3A_398 = arith.constant 12 : i32
      %broadcast_in_dim3A_399 = vector.broadcast %broadcast_in_dim3A_398 : i32 to vector<16xi32>
      %gather3A_400 = tpu.vector_load_idx %arg12[%add3A_287, %broadcast_in_dim3A_399] : memref<512x32xf32, #tpu.memory_space<vmem>>[vector<16xi32>, vector<16xi32>], vector<16xf32>,
      %gather3A_401 = tpu.vector_load_idx %arg13[%add3A_287, %broadcast_in_dim3A_399] : memref<512x32xf32, #tpu.memory_space<vmem>>[vector<16xi32>, vector<16xi32>], vector<16xf32>,
      %gather3A_402 = tpu.vector_load_idx %arg14[%add3A_287, %broadcast_in_dim3A_399] : memref<512x32xf32, #tpu.memory_space<vmem>>[vector<16xi32>, vector<16xi32>], vector<16xf32>,
      %mul3A_403 = arith.mulf %gather3A_400, %gather3A_401 : vector<16xf32>
      %add3A_404 = arith.addf %add3A_395, %mul3A_403 : vector<16xf32>
      %mul3A_405 = arith.mulf %gather3A_400, %gather3A_402 : vector<16xf32>
      %add3A_406 = arith.addf %add3A_397, %mul3A_405 : vector<16xf32>
      %broadcast_in_dim3A_407 = arith.constant 13 : i32
      %broadcast_in_dim3A_408 = vector.broadcast %broadcast_in_dim3A_407 : i32 to vector<16xi32>
      %gather3A_409 = tpu.vector_load_idx %arg12[%add3A_287, %broadcast_in_dim3A_408] : memref<512x32xf32, #tpu.memory_space<vmem>>[vector<16xi32>, vector<16xi32>], vector<16xf32>,
      %gather3A_410 = tpu.vector_load_idx %arg13[%add3A_287, %broadcast_in_dim3A_408] : memref<512x32xf32, #tpu.memory_space<vmem>>[vector<16xi32>, vector<16xi32>], vector<16xf32>,
      %gather3A_411 = tpu.vector_load_idx %arg14[%add3A_287, %broadcast_in_dim3A_408] : memref<512x32xf32, #tpu.memory_space<vmem>>[vector<16xi32>, vector<16xi32>], vector<16xf32>,
      %mul3A_412 = arith.mulf %gather3A_409, %gather3A_410 : vector<16xf32>
      %add3A_413 = arith.addf %add3A_404, %mul3A_412 : vector<16xf32>
      %mul3A_414 = arith.mulf %gather3A_409, %gather3A_411 : vector<16xf32>
      %add3A_415 = arith.addf %add3A_406, %mul3A_414 : vector<16xf32>
      %broadcast_in_dim3A_416 = arith.constant 14 : i32
      %broadcast_in_dim3A_417 = vector.broadcast %broadcast_in_dim3A_416 : i32 to vector<16xi32>
      %gather3A_418 = tpu.vector_load_idx %arg12[%add3A_287, %broadcast_in_dim3A_417] : memref<512x32xf32, #tpu.memory_space<vmem>>[vector<16xi32>, vector<16xi32>], vector<16xf32>,
      %gather3A_419 = tpu.vector_load_idx %arg13[%add3A_287, %broadcast_in_dim3A_417] : memref<512x32xf32, #tpu.memory_space<vmem>>[vector<16xi32>, vector<16xi32>], vector<16xf32>,
      %gather3A_420 = tpu.vector_load_idx %arg14[%add3A_287, %broadcast_in_dim3A_417] : memref<512x32xf32, #tpu.memory_space<vmem>>[vector<16xi32>, vector<16xi32>], vector<16xf32>,
      %mul3A_421 = arith.mulf %gather3A_418, %gather3A_419 : vector<16xf32>
      %add3A_422 = arith.addf %add3A_413, %mul3A_421 : vector<16xf32>
      %mul3A_423 = arith.mulf %gather3A_418, %gather3A_420 : vector<16xf32>
      %add3A_424 = arith.addf %add3A_415, %mul3A_423 : vector<16xf32>
      %broadcast_in_dim3A_425 = arith.constant 15 : i32
      %broadcast_in_dim3A_426 = vector.broadcast %broadcast_in_dim3A_425 : i32 to vector<16xi32>
      %gather3A_427 = tpu.vector_load_idx %arg12[%add3A_287, %broadcast_in_dim3A_426] : memref<512x32xf32, #tpu.memory_space<vmem>>[vector<16xi32>, vector<16xi32>], vector<16xf32>,
      %gather3A_428 = tpu.vector_load_idx %arg13[%add3A_287, %broadcast_in_dim3A_426] : memref<512x32xf32, #tpu.memory_space<vmem>>[vector<16xi32>, vector<16xi32>], vector<16xf32>,
      %gather3A_429 = tpu.vector_load_idx %arg14[%add3A_287, %broadcast_in_dim3A_426] : memref<512x32xf32, #tpu.memory_space<vmem>>[vector<16xi32>, vector<16xi32>], vector<16xf32>,
      %mul3A_430 = arith.mulf %gather3A_427, %gather3A_428 : vector<16xf32>
      %add3A_431 = arith.addf %add3A_422, %mul3A_430 : vector<16xf32>
      %mul3A_432 = arith.mulf %gather3A_427, %gather3A_429 : vector<16xf32>
      %add3A_433 = arith.addf %add3A_424, %mul3A_432 : vector<16xf32>
      %broadcast_in_dim3A_434 = arith.constant 16 : i32
      %broadcast_in_dim3A_435 = vector.broadcast %broadcast_in_dim3A_434 : i32 to vector<16xi32>
      %gather3A_436 = tpu.vector_load_idx %arg12[%add3A_287, %broadcast_in_dim3A_435] : memref<512x32xf32, #tpu.memory_space<vmem>>[vector<16xi32>, vector<16xi32>], vector<16xf32>,
      %gather3A_437 = tpu.vector_load_idx %arg13[%add3A_287, %broadcast_in_dim3A_435] : memref<512x32xf32, #tpu.memory_space<vmem>>[vector<16xi32>, vector<16xi32>], vector<16xf32>,
      %gather3A_438 = tpu.vector_load_idx %arg14[%add3A_287, %broadcast_in_dim3A_435] : memref<512x32xf32, #tpu.memory_space<vmem>>[vector<16xi32>, vector<16xi32>], vector<16xf32>,
      %mul3A_439 = arith.mulf %gather3A_436, %gather3A_437 : vector<16xf32>
      %add3A_440 = arith.addf %add3A_431, %mul3A_439 : vector<16xf32>
      %mul3A_441 = arith.mulf %gather3A_436, %gather3A_438 : vector<16xf32>
      %add3A_442 = arith.addf %add3A_433, %mul3A_441 : vector<16xf32>
      %broadcast_in_dim3A_443 = arith.constant 17 : i32
      %broadcast_in_dim3A_444 = vector.broadcast %broadcast_in_dim3A_443 : i32 to vector<16xi32>
      %gather3A_445 = tpu.vector_load_idx %arg12[%add3A_287, %broadcast_in_dim3A_444] : memref<512x32xf32, #tpu.memory_space<vmem>>[vector<16xi32>, vector<16xi32>], vector<16xf32>,
      %gather3A_446 = tpu.vector_load_idx %arg13[%add3A_287, %broadcast_in_dim3A_444] : memref<512x32xf32, #tpu.memory_space<vmem>>[vector<16xi32>, vector<16xi32>], vector<16xf32>,
      %gather3A_447 = tpu.vector_load_idx %arg14[%add3A_287, %broadcast_in_dim3A_444] : memref<512x32xf32, #tpu.memory_space<vmem>>[vector<16xi32>, vector<16xi32>], vector<16xf32>,
      %mul3A_448 = arith.mulf %gather3A_445, %gather3A_446 : vector<16xf32>
      %add3A_449 = arith.addf %add3A_440, %mul3A_448 : vector<16xf32>
      %mul3A_450 = arith.mulf %gather3A_445, %gather3A_447 : vector<16xf32>
      %add3A_451 = arith.addf %add3A_442, %mul3A_450 : vector<16xf32>
      %broadcast_in_dim3A_452 = arith.constant 18 : i32
      %broadcast_in_dim3A_453 = vector.broadcast %broadcast_in_dim3A_452 : i32 to vector<16xi32>
      %gather3A_454 = tpu.vector_load_idx %arg12[%add3A_287, %broadcast_in_dim3A_453] : memref<512x32xf32, #tpu.memory_space<vmem>>[vector<16xi32>, vector<16xi32>], vector<16xf32>,
      %gather3A_455 = tpu.vector_load_idx %arg13[%add3A_287, %broadcast_in_dim3A_453] : memref<512x32xf32, #tpu.memory_space<vmem>>[vector<16xi32>, vector<16xi32>], vector<16xf32>,
      %gather3A_456 = tpu.vector_load_idx %arg14[%add3A_287, %broadcast_in_dim3A_453] : memref<512x32xf32, #tpu.memory_space<vmem>>[vector<16xi32>, vector<16xi32>], vector<16xf32>,
      %mul3A_457 = arith.mulf %gather3A_454, %gather3A_455 : vector<16xf32>
      %add3A_458 = arith.addf %add3A_449, %mul3A_457 : vector<16xf32>
      %mul3A_459 = arith.mulf %gather3A_454, %gather3A_456 : vector<16xf32>
      %add3A_460 = arith.addf %add3A_451, %mul3A_459 : vector<16xf32>
      %broadcast_in_dim3A_461 = arith.constant 19 : i32
      %broadcast_in_dim3A_462 = vector.broadcast %broadcast_in_dim3A_461 : i32 to vector<16xi32>
      %gather3A_463 = tpu.vector_load_idx %arg12[%add3A_287, %broadcast_in_dim3A_462] : memref<512x32xf32, #tpu.memory_space<vmem>>[vector<16xi32>, vector<16xi32>], vector<16xf32>,
      %gather3A_464 = tpu.vector_load_idx %arg13[%add3A_287, %broadcast_in_dim3A_462] : memref<512x32xf32, #tpu.memory_space<vmem>>[vector<16xi32>, vector<16xi32>], vector<16xf32>,
      %gather3A_465 = tpu.vector_load_idx %arg14[%add3A_287, %broadcast_in_dim3A_462] : memref<512x32xf32, #tpu.memory_space<vmem>>[vector<16xi32>, vector<16xi32>], vector<16xf32>,
      %mul3A_466 = arith.mulf %gather3A_463, %gather3A_464 : vector<16xf32>
      %add3A_467 = arith.addf %add3A_458, %mul3A_466 : vector<16xf32>
      %mul3A_468 = arith.mulf %gather3A_463, %gather3A_465 : vector<16xf32>
      %add3A_469 = arith.addf %add3A_460, %mul3A_468 : vector<16xf32>
      %broadcast_in_dim3A_470 = arith.constant 20 : i32
      %broadcast_in_dim3A_471 = vector.broadcast %broadcast_in_dim3A_470 : i32 to vector<16xi32>
      %gather3A_472 = tpu.vector_load_idx %arg12[%add3A_287, %broadcast_in_dim3A_471] : memref<512x32xf32, #tpu.memory_space<vmem>>[vector<16xi32>, vector<16xi32>], vector<16xf32>,
      %gather3A_473 = tpu.vector_load_idx %arg13[%add3A_287, %broadcast_in_dim3A_471] : memref<512x32xf32, #tpu.memory_space<vmem>>[vector<16xi32>, vector<16xi32>], vector<16xf32>,
      %gather3A_474 = tpu.vector_load_idx %arg14[%add3A_287, %broadcast_in_dim3A_471] : memref<512x32xf32, #tpu.memory_space<vmem>>[vector<16xi32>, vector<16xi32>], vector<16xf32>,
      %mul3A_475 = arith.mulf %gather3A_472, %gather3A_473 : vector<16xf32>
      %add3A_476 = arith.addf %add3A_467, %mul3A_475 : vector<16xf32>
      %mul3A_477 = arith.mulf %gather3A_472, %gather3A_474 : vector<16xf32>
      %add3A_478 = arith.addf %add3A_469, %mul3A_477 : vector<16xf32>
      %broadcast_in_dim3A_479 = arith.constant 21 : i32
      %broadcast_in_dim3A_480 = vector.broadcast %broadcast_in_dim3A_479 : i32 to vector<16xi32>
      %gather3A_481 = tpu.vector_load_idx %arg12[%add3A_287, %broadcast_in_dim3A_480] : memref<512x32xf32, #tpu.memory_space<vmem>>[vector<16xi32>, vector<16xi32>], vector<16xf32>,
      %gather3A_482 = tpu.vector_load_idx %arg13[%add3A_287, %broadcast_in_dim3A_480] : memref<512x32xf32, #tpu.memory_space<vmem>>[vector<16xi32>, vector<16xi32>], vector<16xf32>,
      %gather3A_483 = tpu.vector_load_idx %arg14[%add3A_287, %broadcast_in_dim3A_480] : memref<512x32xf32, #tpu.memory_space<vmem>>[vector<16xi32>, vector<16xi32>], vector<16xf32>,
      %mul3A_484 = arith.mulf %gather3A_481, %gather3A_482 : vector<16xf32>
      %add3A_485 = arith.addf %add3A_476, %mul3A_484 : vector<16xf32>
      %mul3A_486 = arith.mulf %gather3A_481, %gather3A_483 : vector<16xf32>
      %add3A_487 = arith.addf %add3A_478, %mul3A_486 : vector<16xf32>
      %broadcast_in_dim3A_488 = arith.constant 22 : i32
      %broadcast_in_dim3A_489 = vector.broadcast %broadcast_in_dim3A_488 : i32 to vector<16xi32>
      %gather3A_490 = tpu.vector_load_idx %arg12[%add3A_287, %broadcast_in_dim3A_489] : memref<512x32xf32, #tpu.memory_space<vmem>>[vector<16xi32>, vector<16xi32>], vector<16xf32>,
      %gather3A_491 = tpu.vector_load_idx %arg13[%add3A_287, %broadcast_in_dim3A_489] : memref<512x32xf32, #tpu.memory_space<vmem>>[vector<16xi32>, vector<16xi32>], vector<16xf32>,
      %gather3A_492 = tpu.vector_load_idx %arg14[%add3A_287, %broadcast_in_dim3A_489] : memref<512x32xf32, #tpu.memory_space<vmem>>[vector<16xi32>, vector<16xi32>], vector<16xf32>,
      %mul3A_493 = arith.mulf %gather3A_490, %gather3A_491 : vector<16xf32>
      %add3A_494 = arith.addf %add3A_485, %mul3A_493 : vector<16xf32>
      %mul3A_495 = arith.mulf %gather3A_490, %gather3A_492 : vector<16xf32>
      %add3A_496 = arith.addf %add3A_487, %mul3A_495 : vector<16xf32>
      %broadcast_in_dim3A_497 = arith.constant 23 : i32
      %broadcast_in_dim3A_498 = vector.broadcast %broadcast_in_dim3A_497 : i32 to vector<16xi32>
      %gather3A_499 = tpu.vector_load_idx %arg12[%add3A_287, %broadcast_in_dim3A_498] : memref<512x32xf32, #tpu.memory_space<vmem>>[vector<16xi32>, vector<16xi32>], vector<16xf32>,
      %gather3A_500 = tpu.vector_load_idx %arg13[%add3A_287, %broadcast_in_dim3A_498] : memref<512x32xf32, #tpu.memory_space<vmem>>[vector<16xi32>, vector<16xi32>], vector<16xf32>,
      %gather3A_501 = tpu.vector_load_idx %arg14[%add3A_287, %broadcast_in_dim3A_498] : memref<512x32xf32, #tpu.memory_space<vmem>>[vector<16xi32>, vector<16xi32>], vector<16xf32>,
      %mul3A_502 = arith.mulf %gather3A_499, %gather3A_500 : vector<16xf32>
      %add3A_503 = arith.addf %add3A_494, %mul3A_502 : vector<16xf32>
      %mul3A_504 = arith.mulf %gather3A_499, %gather3A_501 : vector<16xf32>
      %add3A_505 = arith.addf %add3A_496, %mul3A_504 : vector<16xf32>
      %broadcast_in_dim3A_506 = arith.constant 24 : i32
      %broadcast_in_dim3A_507 = vector.broadcast %broadcast_in_dim3A_506 : i32 to vector<16xi32>
      %gather3A_508 = tpu.vector_load_idx %arg12[%add3A_287, %broadcast_in_dim3A_507] : memref<512x32xf32, #tpu.memory_space<vmem>>[vector<16xi32>, vector<16xi32>], vector<16xf32>,
      %gather3A_509 = tpu.vector_load_idx %arg13[%add3A_287, %broadcast_in_dim3A_507] : memref<512x32xf32, #tpu.memory_space<vmem>>[vector<16xi32>, vector<16xi32>], vector<16xf32>,
      %gather3A_510 = tpu.vector_load_idx %arg14[%add3A_287, %broadcast_in_dim3A_507] : memref<512x32xf32, #tpu.memory_space<vmem>>[vector<16xi32>, vector<16xi32>], vector<16xf32>,
      %mul3A_511 = arith.mulf %gather3A_508, %gather3A_509 : vector<16xf32>
      %add3A_512 = arith.addf %add3A_503, %mul3A_511 : vector<16xf32>
      %mul3A_513 = arith.mulf %gather3A_508, %gather3A_510 : vector<16xf32>
      %add3A_514 = arith.addf %add3A_505, %mul3A_513 : vector<16xf32>
      %broadcast_in_dim3A_515 = arith.constant 25 : i32
      %broadcast_in_dim3A_516 = vector.broadcast %broadcast_in_dim3A_515 : i32 to vector<16xi32>
      %gather3A_517 = tpu.vector_load_idx %arg12[%add3A_287, %broadcast_in_dim3A_516] : memref<512x32xf32, #tpu.memory_space<vmem>>[vector<16xi32>, vector<16xi32>], vector<16xf32>,
      %gather3A_518 = tpu.vector_load_idx %arg13[%add3A_287, %broadcast_in_dim3A_516] : memref<512x32xf32, #tpu.memory_space<vmem>>[vector<16xi32>, vector<16xi32>], vector<16xf32>,
      %gather3A_519 = tpu.vector_load_idx %arg14[%add3A_287, %broadcast_in_dim3A_516] : memref<512x32xf32, #tpu.memory_space<vmem>>[vector<16xi32>, vector<16xi32>], vector<16xf32>,
      %mul3A_520 = arith.mulf %gather3A_517, %gather3A_518 : vector<16xf32>
      %add3A_521 = arith.addf %add3A_512, %mul3A_520 : vector<16xf32>
      %mul3A_522 = arith.mulf %gather3A_517, %gather3A_519 : vector<16xf32>
      %add3A_523 = arith.addf %add3A_514, %mul3A_522 : vector<16xf32>
      %broadcast_in_dim3A_524 = arith.constant 26 : i32
      %broadcast_in_dim3A_525 = vector.broadcast %broadcast_in_dim3A_524 : i32 to vector<16xi32>
      %gather3A_526 = tpu.vector_load_idx %arg12[%add3A_287, %broadcast_in_dim3A_525] : memref<512x32xf32, #tpu.memory_space<vmem>>[vector<16xi32>, vector<16xi32>], vector<16xf32>,
      %gather3A_527 = tpu.vector_load_idx %arg13[%add3A_287, %broadcast_in_dim3A_525] : memref<512x32xf32, #tpu.memory_space<vmem>>[vector<16xi32>, vector<16xi32>], vector<16xf32>,
      %gather3A_528 = tpu.vector_load_idx %arg14[%add3A_287, %broadcast_in_dim3A_525] : memref<512x32xf32, #tpu.memory_space<vmem>>[vector<16xi32>, vector<16xi32>], vector<16xf32>,
      %mul3A_529 = arith.mulf %gather3A_526, %gather3A_527 : vector<16xf32>
      %add3A_530 = arith.addf %add3A_521, %mul3A_529 : vector<16xf32>
      %mul3A_531 = arith.mulf %gather3A_526, %gather3A_528 : vector<16xf32>
      %add3A_532 = arith.addf %add3A_523, %mul3A_531 : vector<16xf32>
      %broadcast_in_dim3A_533 = arith.constant 27 : i32
      %broadcast_in_dim3A_534 = vector.broadcast %broadcast_in_dim3A_533 : i32 to vector<16xi32>
      %gather3A_535 = tpu.vector_load_idx %arg12[%add3A_287, %broadcast_in_dim3A_534] : memref<512x32xf32, #tpu.memory_space<vmem>>[vector<16xi32>, vector<16xi32>], vector<16xf32>,
      %gather3A_536 = tpu.vector_load_idx %arg13[%add3A_287, %broadcast_in_dim3A_534] : memref<512x32xf32, #tpu.memory_space<vmem>>[vector<16xi32>, vector<16xi32>], vector<16xf32>,
      %gather3A_537 = tpu.vector_load_idx %arg14[%add3A_287, %broadcast_in_dim3A_534] : memref<512x32xf32, #tpu.memory_space<vmem>>[vector<16xi32>, vector<16xi32>], vector<16xf32>,
      %mul3A_538 = arith.mulf %gather3A_535, %gather3A_536 : vector<16xf32>
      %add3A_539 = arith.addf %add3A_530, %mul3A_538 : vector<16xf32>
      %mul3A_540 = arith.mulf %gather3A_535, %gather3A_537 : vector<16xf32>
      %add3A_541 = arith.addf %add3A_532, %mul3A_540 : vector<16xf32>
      %broadcast_in_dim3A_542 = arith.constant 28 : i32
      %broadcast_in_dim3A_543 = vector.broadcast %broadcast_in_dim3A_542 : i32 to vector<16xi32>
      %gather3A_544 = tpu.vector_load_idx %arg12[%add3A_287, %broadcast_in_dim3A_543] : memref<512x32xf32, #tpu.memory_space<vmem>>[vector<16xi32>, vector<16xi32>], vector<16xf32>,
      %gather3A_545 = tpu.vector_load_idx %arg13[%add3A_287, %broadcast_in_dim3A_543] : memref<512x32xf32, #tpu.memory_space<vmem>>[vector<16xi32>, vector<16xi32>], vector<16xf32>,
      %gather3A_546 = tpu.vector_load_idx %arg14[%add3A_287, %broadcast_in_dim3A_543] : memref<512x32xf32, #tpu.memory_space<vmem>>[vector<16xi32>, vector<16xi32>], vector<16xf32>,
      %mul3A_547 = arith.mulf %gather3A_544, %gather3A_545 : vector<16xf32>
      %add3A_548 = arith.addf %add3A_539, %mul3A_547 : vector<16xf32>
      %mul3A_549 = arith.mulf %gather3A_544, %gather3A_546 : vector<16xf32>
      %add3A_550 = arith.addf %add3A_541, %mul3A_549 : vector<16xf32>
      %broadcast_in_dim3A_551 = arith.constant 29 : i32
      %broadcast_in_dim3A_552 = vector.broadcast %broadcast_in_dim3A_551 : i32 to vector<16xi32>
      %gather3A_553 = tpu.vector_load_idx %arg12[%add3A_287, %broadcast_in_dim3A_552] : memref<512x32xf32, #tpu.memory_space<vmem>>[vector<16xi32>, vector<16xi32>], vector<16xf32>,
      %gather3A_554 = tpu.vector_load_idx %arg13[%add3A_287, %broadcast_in_dim3A_552] : memref<512x32xf32, #tpu.memory_space<vmem>>[vector<16xi32>, vector<16xi32>], vector<16xf32>,
      %gather3A_555 = tpu.vector_load_idx %arg14[%add3A_287, %broadcast_in_dim3A_552] : memref<512x32xf32, #tpu.memory_space<vmem>>[vector<16xi32>, vector<16xi32>], vector<16xf32>,
      %mul3A_556 = arith.mulf %gather3A_553, %gather3A_554 : vector<16xf32>
      %add3A_557 = arith.addf %add3A_548, %mul3A_556 : vector<16xf32>
      %mul3A_558 = arith.mulf %gather3A_553, %gather3A_555 : vector<16xf32>
      %add3A_559 = arith.addf %add3A_550, %mul3A_558 : vector<16xf32>
      %broadcast_in_dim3A_560 = arith.constant 30 : i32
      %broadcast_in_dim3A_561 = vector.broadcast %broadcast_in_dim3A_560 : i32 to vector<16xi32>
      %gather3A_562 = tpu.vector_load_idx %arg12[%add3A_287, %broadcast_in_dim3A_561] : memref<512x32xf32, #tpu.memory_space<vmem>>[vector<16xi32>, vector<16xi32>], vector<16xf32>,
      %gather3A_563 = tpu.vector_load_idx %arg13[%add3A_287, %broadcast_in_dim3A_561] : memref<512x32xf32, #tpu.memory_space<vmem>>[vector<16xi32>, vector<16xi32>], vector<16xf32>,
      %gather3A_564 = tpu.vector_load_idx %arg14[%add3A_287, %broadcast_in_dim3A_561] : memref<512x32xf32, #tpu.memory_space<vmem>>[vector<16xi32>, vector<16xi32>], vector<16xf32>,
      %mul3A_565 = arith.mulf %gather3A_562, %gather3A_563 : vector<16xf32>
      %add3A_566 = arith.addf %add3A_557, %mul3A_565 : vector<16xf32>
      %mul3A_567 = arith.mulf %gather3A_562, %gather3A_564 : vector<16xf32>
      %add3A_568 = arith.addf %add3A_559, %mul3A_567 : vector<16xf32>
      %broadcast_in_dim3A_569 = arith.constant 31 : i32
      %broadcast_in_dim3A_570 = vector.broadcast %broadcast_in_dim3A_569 : i32 to vector<16xi32>
      %gather3A_571 = tpu.vector_load_idx %arg12[%add3A_287, %broadcast_in_dim3A_570] : memref<512x32xf32, #tpu.memory_space<vmem>>[vector<16xi32>, vector<16xi32>], vector<16xf32>,
      %gather3A_572 = tpu.vector_load_idx %arg13[%add3A_287, %broadcast_in_dim3A_570] : memref<512x32xf32, #tpu.memory_space<vmem>>[vector<16xi32>, vector<16xi32>], vector<16xf32>,
      %gather3A_573 = tpu.vector_load_idx %arg14[%add3A_287, %broadcast_in_dim3A_570] : memref<512x32xf32, #tpu.memory_space<vmem>>[vector<16xi32>, vector<16xi32>], vector<16xf32>,
      %mul3A_574 = arith.mulf %gather3A_571, %gather3A_572 : vector<16xf32>
      %add3A_575 = arith.addf %add3A_566, %mul3A_574 : vector<16xf32>
      %mul3A_576 = arith.mulf %gather3A_571, %gather3A_573 : vector<16xf32>
      %add3A_577 = arith.addf %add3A_568, %mul3A_576 : vector<16xf32>
      %mul3A_578 = arith.constant 16 : i32
      %mul3A_579 = arith.muli %scan3A_282, %mul3A_578 : i32
      %swap3A = arith.index_cast %mul3A_579 : i32 to index
      %swap3A_580 = tpu.vector_load %arg15[%swap3A] {strides = array<i32>} : memref<512xf32, #tpu.memory_space<vmem>>, vector<16xf32>,
      tpu.vector_store %arg15[%swap3A], %add3A_575 {strides = array<i32>} : memref<512xf32, #tpu.memory_space<vmem>>, vector<16xf32>,
      %mul3A_581 = arith.constant 16 : i32
      %mul3A_582 = arith.muli %scan3A_282, %mul3A_581 : i32
      %swap3A_583 = arith.index_cast %mul3A_582 : i32 to index
      %swap3A_584 = tpu.vector_load %arg16[%swap3A_583] {strides = array<i32>} : memref<512xf32, #tpu.memory_space<vmem>>, vector<16xf32>,
      tpu.vector_store %arg16[%swap3A_583], %add3A_577 {strides = array<i32>} : memref<512xf32, #tpu.memory_space<vmem>>, vector<16xf32>,
      %scan3A_585 = arith.constant 0 : i32
      scf.yield %scan3A_585 : i32
    }
    %scan3A_281 = arith.constant 32 : i32
    "tpu.region"() ({
      %run_scoped3A_282 = tpu.sem_alloc : memref<!tpu.dma_semaphore, #tpu.memory_space<semaphore_mem>>
      %dma_start3A_283 = tpu.memref_slice %arg7[%mul3A_2] : memref<16384xf32, #tpu.memory_space<hbm>> -> memref<512xf32, #tpu.memory_space<hbm>>
      %dma_start3A_284 = tpu.memref_slice %arg7[%mul3A_2] : memref<16384xf32, #tpu.memory_space<hbm>> -> memref<512xf32, #tpu.memory_space<hbm>>
      tpu.enqueue_dma source(%arg15 : memref<512xf32, #tpu.memory_space<vmem>>) target(%dma_start3A_284 : memref<512xf32, #tpu.memory_space<hbm>>) target_semaphore(%run_scoped3A_282 : memref<!tpu.dma_semaphore, #tpu.memory_space<semaphore_mem>>)
      %dma_wait3A_285 = tpu.memref_slice %arg7[%mul3A_2] : memref<16384xf32, #tpu.memory_space<hbm>> -> memref<512xf32, #tpu.memory_space<hbm>>
      %dma_wait3A_286 = tpu.memref_slice %arg7[%mul3A_2] : memref<16384xf32, #tpu.memory_space<hbm>> -> memref<512xf32, #tpu.memory_space<hbm>>
      tpu.wait_dma2 semaphore(%run_scoped3A_282 : memref<!tpu.dma_semaphore, #tpu.memory_space<semaphore_mem>>) src(%arg15 : memref<512xf32, #tpu.memory_space<vmem>>) dst(%dma_wait3A_286 : memref<512xf32, #tpu.memory_space<hbm>>)
      tpu.yield
    }) : () -> ()
    "tpu.region"() ({
      %run_scoped3A_282 = tpu.sem_alloc : memref<!tpu.dma_semaphore, #tpu.memory_space<semaphore_mem>>
      %dma_start3A_283 = tpu.memref_slice %arg8[%mul3A_2] : memref<16384xf32, #tpu.memory_space<hbm>> -> memref<512xf32, #tpu.memory_space<hbm>>
      %dma_start3A_284 = tpu.memref_slice %arg8[%mul3A_2] : memref<16384xf32, #tpu.memory_space<hbm>> -> memref<512xf32, #tpu.memory_space<hbm>>
      tpu.enqueue_dma source(%arg16 : memref<512xf32, #tpu.memory_space<vmem>>) target(%dma_start3A_284 : memref<512xf32, #tpu.memory_space<hbm>>) target_semaphore(%run_scoped3A_282 : memref<!tpu.dma_semaphore, #tpu.memory_space<semaphore_mem>>)
      %dma_wait3A_285 = tpu.memref_slice %arg8[%mul3A_2] : memref<16384xf32, #tpu.memory_space<hbm>> -> memref<512xf32, #tpu.memory_space<hbm>>
      %dma_wait3A_286 = tpu.memref_slice %arg8[%mul3A_2] : memref<16384xf32, #tpu.memory_space<hbm>> -> memref<512xf32, #tpu.memory_space<hbm>>
      tpu.wait_dma2 semaphore(%run_scoped3A_282 : memref<!tpu.dma_semaphore, #tpu.memory_space<semaphore_mem>>) src(%arg16 : memref<512xf32, #tpu.memory_space<vmem>>) dst(%dma_wait3A_286 : memref<512xf32, #tpu.memory_space<hbm>>)
      tpu.yield
    }) : () -> ()
    return
  }
}

</mosaic_0001>

<sc_bundles>
// kernel: kernel.3.cloned.1.call-start
scs
__scs_entry_jumppad:
0x0: {  	(pc) =	sbr.rel $0x88, $3  }
0x1: {  	(tag) =	ssettag $0x0;
	lr =	simm.s32 $0x1  }
0x2: {  	[smem:$0x3F9C] =	sst lr;
	_ =	strace $0xD0000000  }
0x3: {  	_ = 	snop  }
0x4: {  	_ = 	snop  }
0x5: {  	_ = 	snop  }
0x6: {  	_ = 	snop  }
0x7: {  	_ = 	snop  }
__scs_overlays_trampoline_lowered:
0x8: {  	[smem:$0x3FAB] =	sst s0  }
0x9: {  	[smem:$0x3FAC] =	sst s1  }
0xa: {  	[smem:$0x3FAD] =	sst s2  }
0xb: {  	[smem:$0x3FAE] =	sst s3  }
0xc: {  	[smem:$0x3FAF] =	sst s4  }
0xd: {  	[smem:$0x3FB0] =	sst s5  }
0xe: {  	[smem:$0x3FB1] =	sst s6  }
0xf: {  	[smem:$0x3FB2] =	sst s7  }
0x10: {  	[smem:$0x3FB3] =	sst s8  }
0x11: {  	[smem:$0x3FB4] =	sst s9;
	s0 =	simm.s32 @!p0 $0x0  }
0x12: {  	s1 =	sld [smem:$0x3F9A];
	s0 =	simm.s32 @p0 $0x1  }
0x13: {  	[smem:$0x3FB5] =	sst s0;
	s0 =	simm.s32 @!p1 $0x0  }
0x14: {  	s2 =	sld [smem:$0x3F99];
	s0 =	simm.s32 @p1 $0x1  }
0x15: {  	[smem:$0x3FB6] =	sst s0;
	s0 =	simm.s32 @!p2 $0x0  }
0x16: {  	s3 =	sld [smem:$0x3FDB];
	s0 =	simm.s32 @p2 $0x1  }
0x17: {  	s4 =	simm.s32 $0x1BF5;
	[smem:$0x3FB8] =	sst s0  }
0x18: {  	s0 =	sld [smem:$0x3F9B];
	_ =	swait.ge [sflag:s4], $0x0  }
0x19: {  	s7 =	sld [smem:$0x3F9C]  }
0x1a: {  	s8 =	sadd.s32 $0xFFFFE003, lr  }
0x1b: {  	s9 =	sadd.s32 $0xFFFFFEF7, lr;
	s5 =	simm.s32 $0xFFFFFFFF;
	p2 =	slt.u32 s8, $0xFFFFF086  }
0x1c: {  	p1 =	slt.u32 s9, $0xF7A;
	s5 =	simm.s32 @!p2 $0x0  }
0x1d: {  	s5 =	simm.s32 @p1 $0x1;
	p0 =	seq.s32 s7, s2  }
0x1e: {  	s7 =	smul.u32 @!p0 $0xF7A, s2;
	p2 =	seq.s32 @!p0 s5, $0x0  }
0x1f: {  	s9 =	smul.u32 $0xF7A, s1;
	s8 =	simm.s32 @!p0 $0x1BF5;
	p2 =	por !p2, p0  }
0x20: {  	[sflag:s8] =	ssyncset.s32 @!p0 $0xFFFFF086;
	s6 =	sadd.s32 @!p0 s3, s7;
	s7 =	simm.s32 @!p0 $0x108  }
0x21: {  	s3 =	sadd.s32 s3, s9;
	s6 =	sadd.s32 @!p0 $0x88, s6;
	s7 =	simm.s32 @p2 $0x1082  }
0x22: {  	[simem:s7], [sflag:s8] =	dma.local @!p0 [hbm:s6], $0xF7A  }
0x23: {  	s9 =	sor.u32 $0xD0000000, s2;
	s6 =	simm.s32 $0x108;
	_ =	swait.ge @!p0 [sflag:s8], $0x0  }
0x24: {  	s3 =	sadd.s32 $0x88, s3;
	s6 =	simm.s32 @!p1 $0x1082;
	[sflag:s4] =	ssyncset.s32 $0xFFFFF086  }
0x25: {  	[simem:s6], [sflag:s4] =	dma.local [hbm:s3], $0xF7A  }
0x26: {  	[smem:$0x3F9C] =	sst s1;
	(tag) =	ssettag s2;
	_ =	strace s9  }
0x27: {  	s1 =	sld [smem:$0x3FAC]  }
0x28: {  	s2 =	sld [smem:$0x3FAD]  }
0x29: {  	s4 =	sld [smem:$0x3FAF]  }
0x2a: {  	p0 =	seq.s32 s5, $0x0;
	s5 =	sld [smem:$0x3FB0]  }
0x2b: {  	s6 =	sld [smem:$0x3FB1]  }
0x2c: {  	s7 =	sld [smem:$0x3FB2]  }
0x2d: {  	s3 =	simm.s32 $0x108;
	s8 =	sld [smem:$0x3FB3]  }
0x2e: {  	s3 =	simm.s32 @!p0 $0x1082;
	s9 =	sld [smem:$0x3FB4]  }
0x2f: {  	lr =	sadd.s32 s0, s3;
	s0 =	sld [smem:$0x3FAB]  }
0x30: {  	s3 =	sld [smem:$0x3FAE]  }
0x31: {  	[smem:$0x3FB7] =	sst s10  }
0x32: {  	s10 =	sld [smem:$0x3FB5];
	_ =	sdelay $0x3  }
0x33: {  	p0 =	seq.s32 s10, $0x1;
	s10 =	sld [smem:$0x3FB7];
	_ =	sdelay $0x3  }
0x34: {  	[smem:$0x3FB7] =	sst s10  }
0x35: {  	s10 =	sld [smem:$0x3FB6];
	_ =	sdelay $0x3  }
0x36: {  	p1 =	seq.s32 s10, $0x1;
	s10 =	sld [smem:$0x3FB7];
	_ =	sdelay $0x3  }
0x37: {  	[smem:$0x3FB7] =	sst s10  }
0x38: {  	s10 =	sld [smem:$0x3FB8]  }
0x39: {  	_ = 	snop;
	(pc) =	sbr.ind lr, $3  }
0x3a: {  	_ = 	snop  }
0x3b: {  	_ = 	snop  }
0x3c: {  	p2 =	seq.s32 s10, $0x1;
	s10 =	sld [smem:$0x3FB7]  }
0x3d: {  	_ =	shalt  }
0x3e: {  	_ =	shalt  }
0x3f: {  	_ =	shalt  }
0x40: {  	_ =	shalt  }
0x41: {  	_ =	shalt  }
0x42: {  	_ =	shalt  }
0x43: {  	_ =	shalt  }
0x44: {  	_ =	shalt  }
0x45: {  	_ =	shalt  }
0x46: {  	_ =	shalt  }
0x47: {  	_ =	shalt  }
0x48: {  	_ =	shalt  }
0x49: {  	_ =	shalt  }
0x4a: {  	_ =	shalt  }
0x4b: {  	_ =	shalt  }
0x4c: {  	_ =	shalt  }
0x4d: {  	_ =	shalt  }
0x4e: {  	_ =	shalt  }
0x4f: {  	_ =	shalt  }
0x50: {  	_ =	shalt  }
0x51: {  	_ =	shalt  }
0x52: {  	_ =	shalt  }
0x53: {  	_ =	shalt  }
0x54: {  	_ =	shalt  }
0x55: {  	_ =	shalt  }
0x56: {  	_ =	shalt  }
0x57: {  	_ =	shalt  }
0x58: {  	_ =	shalt  }
0x59: {  	_ =	shalt  }
0x5a: {  	_ =	shalt  }
0x5b: {  	_ =	shalt  }
0x5c: {  	_ =	shalt  }
0x5d: {  	_ =	shalt  }
0x5e: {  	_ =	shalt  }
0x5f: {  	_ =	shalt  }
0x60: {  	_ =	shalt  }
0x61: {  	_ =	shalt  }
0x62: {  	_ =	shalt  }
0x63: {  	_ =	shalt  }
0x64: {  	_ =	shalt  }
0x65: {  	_ =	shalt  }
0x66: {  	_ =	shalt  }
0x67: {  	_ =	shalt  }
0x68: {  	_ =	shalt  }
0x69: {  	_ =	shalt  }
0x6a: {  	_ =	shalt  }
0x6b: {  	_ =	shalt  }
0x6c: {  	_ =	shalt  }
0x6d: {  	_ =	shalt  }
0x6e: {  	_ =	shalt  }
0x6f: {  	_ =	shalt  }
0x70: {  	_ =	shalt  }
0x71: {  	_ =	shalt  }
0x72: {  	_ =	shalt  }
0x73: {  	_ =	shalt  }
0x74: {  	_ =	shalt  }
0x75: {  	_ =	shalt  }
0x76: {  	_ =	shalt  }
0x77: {  	_ =	shalt  }
0x78: {  	_ =	shalt  }
0x79: {  	_ =	shalt  }
0x7a: {  	_ =	shalt  }
0x7b: {  	_ =	shalt  }
0x7c: {  	_ =	shalt  }
0x7d: {  	_ =	shalt  }
0x7e: {  	_ =	shalt  }
0x7f: {  	_ =	shalt  }
0x80: {  	_ =	shalt  }
0x81: {  	_ =	shalt  }
0x82: {  	_ =	shalt  }
0x83: {  	_ =	shalt  }
0x84: {  	_ =	shalt  }
0x85: {  	_ =	shalt  }
0x86: {  	_ =	shalt  }
0x87: {  	_ =	shalt  }
.Lfunc_end0:
.L_simem_size_0:
called_computation_lowered:
.L_overlay_start_0:
0x88: {  	s2 =	sld [smem:$0x3FD9]  }
0x89: {  	s3 =	sld [smem:$0x3FFE];
	_ =	sdelay $0x1  }
0x8a: {  	s1 =	srdreg.scid  }
0x8b: {  	s0 =	sand.u32 $0x1, s1  }
0x8c: {  	s14 =	sshll.u32 s0, $0xA;
	s2 =	sadd.s32 s3, s2  }
0x8d: {  	s2 =	sadd.s32 s2, s14  }
0x8e: {  	[smem:$0x3FC3] =	sst s2  }
0x8f: {  	_ = 	snop  }
0x90: {  	s2 =	sld [smem:$0x3FD0]  }
0x91: {  	s15 =	sld [smem:$0x3FC9]  }
0x92: {  	s4 =	sld [smem:$0x3FC8]  }
0x93: {  	s6 =	simm.s32 $0xA;
	s7 =	simm.s32 $0x10;
	s5 =	sld [smem:$0x3FC7]  }
0x94: {  	[smem:s7], [sflag:s6] =	dma.local [hbm:s2], $0x1  }
0x95: {  	_ =	swait.eq [sflag:s6], $0x1  }
0x96: {  	[sflag:s6] =	ssyncset.done $0x0  }
0x97: {  	s16 =	sld [smem:$0x10];
	[sflag:s6] =	ssyncadd.s32 $0xFFFFFFFF  }
0x98: {  	s17 =	sld [smem:$0x11];
	(tm) =	ssettm $0x1  }
0x99: {  	s18 =	sld [smem:$0x3FFB];
	_ =	sdelay $0x3  }
0x9a: {  	_ =	strace s18  }
0x9b: {  	s7 =	sld [smem:$0x3FFC];
	_ =	sdelay $0x3  }
0x9c: {  	_ =	strace s7  }
0x9d: {  	s7 =	sld [smem:$0x3FFD];
	_ =	sdelay $0x3  }
0x9e: {  	_ =	strace s7  }
0x9f: {  	_ =	strace $0x8FFFFFFF  }
0xa0: {  	s19 =	sld [smem:$0x3FDB];
	_ =	sdelay $0x1  }
0xa1: {  	s8 =	simm.s32 $_scs_section_size  }
0xa2: {  	s9 =	simm.s32 $_size__tile_overlayer_lowered;
	s10 =	simm.s32 $_tile_overlayer_lowered  }
0xa3: {  	s22 =	simm.s32 $0x1BFF;
	s21 =	sshll.u32 s10, $0x1;
	s7 =	sadd.s32 s8, s19  }
0xa4: {  	s11 =	simm.s32 $0x0;
	s20 =	sshll.u32 s9, $0x1;
	s9 =	sadd.s32 s21, s7  }
0xa5: {  	[timem:s11], [sflag:s22] =	dma.local [hbm:s9], s20  }
0xa6: {  	_ =	swait.ge [sflag:s22], s20  }
0xa7: {  	s8 =	ssub.s32 $0x0, s20;
	[sflag:s22] =	ssyncset.done $0x0  }
0xa8: {  	[sflag:s22] =	ssyncadd.s32 s8;
	_ =	sdelay $0x1  }
0xa9: {  	s23 =	simm.s32 $0x1B8B  }
0xaa: {  	_ =	swait.ge [sflag:s23], $0x1  }
0xab: {  	[sflag:s23] =	ssyncset.done $0x0  }
0xac: {  	s25 =	simm.s32 $0x1B8E;
	s24 =	sld [smem:$0x3FFE];
	[sflag:s23] =	ssyncadd.s32 $0xFFFFFFFF  }
0xad: {  	s26 =	simm.s32 $execute0_lowered;
	[smem:$0x3FD2] =	sst s25  }
0xae: {  	s9 =	sshll.u32 s26, $0x1;
	_ =	strace $0x80000046;
	[dreg:$0x1] =	wrdreg $0xFFFFFFFF  }
0xaf: {  	s28 =	simm.s32 $_size_execute0_lowered;
	s7 =	sadd.s32 s7, s9;
	[dreg:$0x0] =	wrdreg $0x0  }
0xb0: {  	s9 =	sshll.u32 s28, $0x1;
	[dreg:$0x2] =	wrdreg s7  }
0xb1: {  	[dreg:$0x3] =	wrdreg s9  }
0xb2: {  	[dreg:$0x4] =	wrdreg $0xC0  }
0xb3: {  	_ =	task [dreg:s11], $0x5FFFF  }
0xb4: {  	[dreg:$0x1] =	wrdreg $0xFFFFFFFF  }
0xb5: {  	[dreg:$0x0] =	wrdreg $0x60  }
0xb6: {  	[dreg:$0x2] =	wrdreg s15  }
0xb7: {  	[dreg:$0x3] =	wrdreg s4  }
0xb8: {  	[dreg:$0x4] =	wrdreg s5  }
0xb9: {  	[dreg:$0x5] =	wrdreg s24  }
0xba: {  	[dreg:$0x6] =	wrdreg s16  }
0xbb: {  	[dreg:$0x7] =	wrdreg s17  }
0xbc: {  	[dreg:$0x8] =	wrdreg $0x9  }
0xbd: {  	_ =	task.clear_ibuf [dreg:s11], $0x9FFFF;
	_ =	strace $0x90000046  }
0xbe: {  	s29 =	simm.s32 $0x9;
	_ =	strace $0x80000048  }
0xbf: {  	_ =	swait.ge [sflag:s29], $0x1  }
0xc0: {  	[sflag:s29] =	ssyncadd.s32 $0xFFFFFFFF  }
0xc1: {  	_ =	strace $0x90000048  }
0xc2: {  	_ =	sfence  }
0xc3: {  	s30 =	sld [smem:$0x0];
	_ =	sdelay $0x2  }
0xc4: {  	s31 =	sshll.u32 s1, $0xD;
	s1 =	sshrl.u32 s1, $0x2  }
0xc5: {  	s3 =	sand.u32 $0x4000, s31;
	s1 =	sadd.s32 s1, s30  }
0xc6: {  	s0 =	sor.u32 s3, s0;
	s1 =	sshll.u32 s1, $0x11  }
0xc7: {  	s0 =	sor.u32 s1, s0  }
0xc8: {  	s0 =	sadd.s32 $0x8F2B, s0  }
0xc9: {  	[sflag:s0] =	ssyncadd.remote.s32 $0x1  }
0xca: {  	_ =	sfence.sel $0xFFFF  }
0xcb: {  	[dreg:$0x0] =	wrdreg $0xFFFFFFFF;
	(pc) =	sbr.abs _section_cstart, $3  }
0xcc: {  	[dreg:$0x1] =	wrdreg $0xFFFFFFFF  }
0xcd: {  	_ =	task.clear_ibuf [dreg:s11], $0x2FFFF;
	_ =	strace $0x9FFFFFFF  }
0xce: {  	(tm) =	ssettm $0x7FFFFFFF  }
0xcf: {  	_ =	shalt  }
tec
execute0_lowered:
.L_overlay_start_1:
0x0: {  	(tag) =	ssettag $0x1  }
0x1: {  	s0 =	rddreg [dreg:$0x0]  }
0x2: {  	s1 =	rddreg [dreg:$0x1]  }
0x3: {  	s5 =	rddreg [dreg:$0x2]  }
0x4: {  	s4 =	rddreg [dreg:$0x3]  }
0x5: {  	s6 =	rddreg [dreg:$0x4]  }
0x6: {  	s7 =	rddreg [dreg:$0x5];
	s2 =	simm.s32 $0x0;
	s3 =	srdreg.scid  }
0x7: {  	s9 =	stileid.u32;
	s20 =	simm.s32 $0x2;
	s28 =	simm.s32 $0x300  }
0x8: {  	s29 =	simm.s32 $0x500;
	s30 =	simm.s32 $0x180;
	s31 =	simm.s32 $0x380  }
0x9: {  	s21 =	simm.s32 $0xC600;
	[smem:$0x7FF] =	sst s2;
	s3 =	sand.u32 $0x1, s3  }
0xa: {  	s9 =	sshll.u32 s9, $0x7;
	_ =	strace $0x80000047;
	s8 =	ssub.s32 $0x2, s3  }
0xb: {  	s10 =	sshll.u32 s3, $0x6;
	s3 =	sadd.s32 $0xF42C00, s4;
	s11 =	sshrl.u32 s8, $0x1  }
0xc: {  	s4 =	sadd.s32 $0x1313600, s4;
	s9 =	sor.u32 s10, s9;
	s8 =	ssub.s32 s8, s11  }
0xd: {  	s10 =	sadd.s32 s0, s9;
	s22 =	sadd.s32 s1, s9;
	s23 =	sadd.s32 s5, s9  }
0xe: {  	s24 =	sor.u32 $0x10, s9;
	s13 =	sor.u32 $0x20, s9;
	s16 =	sor.u32 $0x30, s9  }
0xf: {  	s17 =	sadd.s32 s6, s9;
	s18 =	sadd.s32 s7, s9;
	[dreg:$0x7] =	wrdreg s10  }
0x10: {  	s6 =	simm.s32 $0x8600;
	s7 =	simm.s32 $0x1;
	[dreg:$0x8] =	wrdreg s22  }
0x11: {  	[dreg:$0x9] =	wrdreg s23;
	s25 =	sadd.s32 s0, s24;
	s26 =	sadd.s32 s1, s24  }
0x12: {  	s10 =	sadd.s32 s5, s24;
	s11 =	sadd.s32 s0, s13;
	s12 =	sadd.s32 s1, s13  }
0x13: {  	s13 =	sadd.s32 s5, s13;
	s14 =	sadd.s32 s0, s16;
	s15 =	sadd.s32 s1, s16  }
0x14: {  	v0 =	vlaneseq.u32;
	s16 =	sadd.s32 s5, s16;
	s19 =	smax.u32 s8, $0x1;
	s23 =	simm.s32 $0x80  }
0x15: {  	v0 =	vmul.u32 $0x20, v0;
	s0 =	simm.s32 $0x580;
	s1 =	simm.s32 $0x600;
	[dreg:$0xa] =	wrdreg s25  }
0x16: {  	s5 =	simm.s32 $0x4600;
	s22 =	simm.s32 $0xC800;
	[dreg:$0xb] =	wrdreg s26  }
0x17: {  	[tilespmem:$0x1FFF0] =	vst v0;
	s8 =	simm.s32 $0x0;
	[dreg:$0xc] =	wrdreg s10;
	s26 =	simm.s32 $0x480  }
.LBB2_1:
0x18: {  	s9 =	rddreg [dreg:$0x7]  }
0x19: {  	[tilespmem:s2], [sflag:$0x2] =	stream.linear.gather [hbm4b:s9+s2], $0x80, $0x38;
	[tilespmem:$0xCA00] =	vst v63  }
0x1a: {  	_ =	swait.ge [sflag:s20], $0x80  }
0x1b: {  	[sflag:s20] =	ssyncset.done $0x0  }
0x1c: {  	s24 =	simm.s32 $0x200;
	s25 =	rddreg [dreg:$0x8];
	[sflag:s20] =	ssyncadd.s32 $0xFFFFFF80  }
0x1d: {  	[tilespmem:s24], [sflag:$0x2] =	stream.linear.gather [hbm4b:s25+s2], $0x80, $0x38;
	[tilespmem:$0xCA00] =	vst v63  }
0x1e: {  	_ =	swait.ge [sflag:s20], $0x80  }
0x1f: {  	[sflag:s20] =	ssyncset.done $0x0  }
0x20: {  	s25 =	simm.s32 $0x400;
	s10 =	rddreg [dreg:$0x9];
	[sflag:s20] =	ssyncadd.s32 $0xFFFFFF80  }
0x21: {  	[tilespmem:s25], [sflag:$0x2] =	stream.linear.gather [hbm4b:s10+s2], $0x80, $0x38;
	[tilespmem:$0xCA00] =	vst v63  }
0x22: {  	_ =	swait.ge [sflag:s20], $0x80  }
0x23: {  	[sflag:s20] =	ssyncset.done $0x0  }
0x24: {  	s10 =	rddreg [dreg:$0xa];
	[sflag:s20] =	ssyncadd.s32 $0xFFFFFF80  }
0x25: {  	[tilespmem:s23], [sflag:$0x2] =	stream.linear.gather [hbm4b:s10+s2], $0x80, $0x38;
	[tilespmem:$0xCA00] =	vst v63  }
0x26: {  	_ =	swait.ge [sflag:s20], $0x80  }
0x27: {  	[sflag:s20] =	ssyncset.done $0x0  }
0x28: {  	s10 =	simm.s32 $0x280;
	s9 =	rddreg [dreg:$0xb];
	[sflag:s20] =	ssyncadd.s32 $0xFFFFFF80  }
0x29: {  	[tilespmem:s10], [sflag:$0x2] =	stream.linear.gather [hbm4b:s9+s2], $0x80, $0x38;
	[tilespmem:$0xCA00] =	vst v63  }
0x2a: {  	_ =	swait.ge [sflag:s20], $0x80  }
0x2b: {  	[sflag:s20] =	ssyncset.done $0x0  }
0x2c: {  	s9 =	rddreg [dreg:$0xc];
	[sflag:s20] =	ssyncadd.s32 $0xFFFFFF80  }
0x2d: {  	[tilespmem:s26], [sflag:$0x2] =	stream.linear.gather [hbm4b:s9+s2], $0x80, $0x38;
	[tilespmem:$0xCA00] =	vst v63  }
0x2e: {  	_ =	swait.ge [sflag:s20], $0x80  }
0x2f: {  	[sflag:s20] =	ssyncset.done $0x0  }
0x30: {  	s9 =	simm.s32 $0x100;
	[sflag:s20] =	ssyncadd.s32 $0xFFFFFF80  }
0x31: {  	[tilespmem:s9], [sflag:$0x2] =	stream.linear.gather [hbm4b:s11+s2], $0x80, $0x38;
	[tilespmem:$0xCA00] =	vst v63  }
0x32: {  	_ =	swait.ge [sflag:s20], $0x80  }
0x33: {  	[sflag:s20] =	ssyncset.done $0x0  }
0x34: {  	[sflag:s20] =	ssyncadd.s32 $0xFFFFFF80  }
0x35: {  	[tilespmem:s28], [sflag:$0x2] =	stream.linear.gather [hbm4b:s12+s2], $0x80, $0x38;
	[tilespmem:$0xCA00] =	vst v63  }
0x36: {  	_ =	swait.ge [sflag:s20], $0x80  }
0x37: {  	[sflag:s20] =	ssyncset.done $0x0  }
0x38: {  	[sflag:s20] =	ssyncadd.s32 $0xFFFFFF80  }
0x39: {  	[tilespmem:s29], [sflag:$0x2] =	stream.linear.gather [hbm4b:s13+s2], $0x80, $0x38;
	[tilespmem:$0xCA00] =	vst v63  }
0x3a: {  	_ =	swait.ge [sflag:s20], $0x80  }
0x3b: {  	[sflag:s20] =	ssyncset.done $0x0  }
0x3c: {  	[sflag:s20] =	ssyncadd.s32 $0xFFFFFF80  }
0x3d: {  	[tilespmem:s30], [sflag:$0x2] =	stream.linear.gather [hbm4b:s14+s2], $0x80, $0x38;
	[tilespmem:$0xCA00] =	vst v63  }
0x3e: {  	_ =	swait.ge [sflag:s20], $0x80  }
0x3f: {  	[sflag:s20] =	ssyncset.done $0x0  }
0x40: {  	[sflag:s20] =	ssyncadd.s32 $0xFFFFFF80  }
0x41: {  	[tilespmem:s31], [sflag:$0x2] =	stream.linear.gather [hbm4b:s15+s2], $0x80, $0x38;
	[tilespmem:$0xCA00] =	vst v63  }
0x42: {  	_ =	swait.ge [sflag:s20], $0x80  }
0x43: {  	[sflag:s20] =	ssyncset.done $0x0  }
0x44: {  	[sflag:s20] =	ssyncadd.s32 $0xFFFFFF80  }
0x45: {  	[tilespmem:s0], [sflag:$0x2] =	stream.linear.gather [hbm4b:s16+s2], $0x80, $0x38;
	[tilespmem:$0xCA00] =	vst v63  }
0x46: {  	_ =	swait.ge [sflag:s20], $0x80  }
0x47: {  	[sflag:s20] =	ssyncset.done $0x0  }
0x48: {  	[sflag:s20] =	ssyncadd.s32 $0xFFFFFF80  }
0x49: {  	[tilespmem:s1], [sflag:$0x1] =	stream.indirect.gather [hbm4b:s3+s23], $0x20, s2, s23, $0xb8;
	[tilespmem:$0xCA00] =	vst v63  }
0x4a: {  	_ = 	snop  }
0x4b: {  	[tilespmem:s5], [sflag:$0x1] =	stream.indirect.gather [hbm4b:s4+s23], $0x20, s24, s23, $0xb8;
	[tilespmem:$0xCA00] =	vst v63  }
0x4c: {  	_ = 	snop  }
0x4d: {  	[tilespmem:s6], [sflag:$0x1] =	stream.indirect.gather [hbm4b:s4+s23], $0x20, s25, s23, $0xb8;
	[tilespmem:$0xCA00] =	vst v63  }
0x4e: {  	s25 =	simm.s32 $0x1600  }
0x4f: {  	[tilespmem:s25], [sflag:$0x1] =	stream.indirect.gather [hbm4b:s3+s23], $0x20, s23, s23, $0xb8;
	[tilespmem:$0xCA00] =	vst v63  }
0x50: {  	s25 =	simm.s32 $0x5600  }
0x51: {  	[tilespmem:s25], [sflag:$0x1] =	stream.indirect.gather [hbm4b:s4+s23], $0x20, s10, s23, $0xb8;
	[tilespmem:$0xCA00] =	vst v63  }
0x52: {  	s24 =	simm.s32 $0x9600  }
0x53: {  	[tilespmem:s24], [sflag:$0x1] =	stream.indirect.gather [hbm4b:s4+s23], $0x20, s26, s23, $0xb8;
	[tilespmem:$0xCA00] =	vst v63  }
0x54: {  	s25 =	simm.s32 $0x2600  }
0x55: {  	[tilespmem:s25], [sflag:$0x1] =	stream.indirect.gather [hbm4b:s3+s23], $0x20, s9, s23, $0xb8;
	[tilespmem:$0xCA00] =	vst v63  }
0x56: {  	s10 =	simm.s32 $0x6600  }
0x57: {  	[tilespmem:s10], [sflag:$0x1] =	stream.indirect.gather [hbm4b:s4+s23], $0x20, s28, s23, $0xb8;
	[tilespmem:$0xCA00] =	vst v63  }
0x58: {  	s24 =	simm.s32 $0xA600  }
0x59: {  	[tilespmem:s24], [sflag:$0x1] =	stream.indirect.gather [hbm4b:s4+s23], $0x20, s29, s23, $0xb8;
	[tilespmem:$0xCA00] =	vst v63  }
0x5a: {  	s25 =	simm.s32 $0x3600  }
0x5b: {  	[tilespmem:s25], [sflag:$0x1] =	stream.indirect.gather [hbm4b:s3+s23], $0x20, s30, s23, $0xb8;
	[tilespmem:$0xCA00] =	vst v63  }
0x5c: {  	s10 =	simm.s32 $0x7600  }
0x5d: {  	[tilespmem:s10], [sflag:$0x1] =	stream.indirect.gather [hbm4b:s4+s23], $0x20, s31, s23, $0xb8;
	[tilespmem:$0xCA00] =	vst v63  }
0x5e: {  	s24 =	simm.s32 $0xB600  }
0x5f: {  	[tilespmem:s24], [sflag:$0x1] =	stream.indirect.gather [hbm4b:s4+s23], $0x20, s0, s23, $0xb8;
	[tilespmem:$0xCA00] =	vst v63  }
0x60: {  	_ =	swait.ge [sflag:s7], $0x1000  }
0x61: {  	[sflag:s7] =	ssyncset.done $0x0  }
0x62: {  	[sflag:s7] =	ssyncadd.s32 $0xFFFFF000  }
0x63: {  	_ =	swait.ge [sflag:s7], $0x1000  }
0x64: {  	[sflag:s7] =	ssyncset.done $0x0  }
0x65: {  	[sflag:s7] =	ssyncadd.s32 $0xFFFFF000  }
0x66: {  	_ =	swait.ge [sflag:s7], $0x1000  }
0x67: {  	[sflag:s7] =	ssyncset.done $0x0  }
0x68: {  	[sflag:s7] =	ssyncadd.s32 $0xFFFFF000  }
0x69: {  	_ =	swait.ge [sflag:s7], $0x1000  }
0x6a: {  	[sflag:s7] =	ssyncset.done $0x0  }
0x6b: {  	[sflag:s7] =	ssyncadd.s32 $0xFFFFF000  }
0x6c: {  	_ =	swait.ge [sflag:s7], $0x1000  }
0x6d: {  	[sflag:s7] =	ssyncset.done $0x0  }
0x6e: {  	[sflag:s7] =	ssyncadd.s32 $0xFFFFF000  }
0x6f: {  	_ =	swait.ge [sflag:s7], $0x1000  }
0x70: {  	[sflag:s7] =	ssyncset.done $0x0  }
0x71: {  	[sflag:s7] =	ssyncadd.s32 $0xFFFFF000  }
0x72: {  	_ =	swait.ge [sflag:s7], $0x1000  }
0x73: {  	[sflag:s7] =	ssyncset.done $0x0  }
0x74: {  	[sflag:s7] =	ssyncadd.s32 $0xFFFFF000  }
0x75: {  	_ =	swait.ge [sflag:s7], $0x1000  }
0x76: {  	[sflag:s7] =	ssyncset.done $0x0  }
0x77: {  	[sflag:s7] =	ssyncadd.s32 $0xFFFFF000  }
0x78: {  	_ =	swait.ge [sflag:s7], $0x1000  }
0x79: {  	[sflag:s7] =	ssyncset.done $0x0  }
0x7a: {  	[sflag:s7] =	ssyncadd.s32 $0xFFFFF000  }
0x7b: {  	_ =	swait.ge [sflag:s7], $0x1000  }
0x7c: {  	v1 =	vmov s2;
	[sflag:s7] =	ssyncset.done $0x0  }
0x7d: {  	v1 =	vshll.u32 v1, $0x5;
	[sflag:s7] =	ssyncadd.s32 $0xFFFFF000  }
0x7e: {  	v31 =	vor.u32 v0, v1;
	_ =	swait.ge [sflag:s7], $0x1000  }
0x7f: {  	v5 =	vor.u32 $0x1F, v31;
	[sflag:s7] =	ssyncset.done $0x0  }
0x80: {  	v8 =	vor.u32 $0x1C, v31;
	[sflag:s7] =	ssyncadd.s32 $0xFFFFF000  }
0x81: {  	v10 =	vor.u32 $0x1B, v31;
	_ =	swait.ge [sflag:s7], $0x1000  }
0x82: {  	v12 =	vor.u32 $0x1A, v31;
	[sflag:s7] =	ssyncset.done $0x0  }
0x83: {  	v14 =	vor.u32 $0x19, v31;
	[sflag:s7] =	ssyncadd.s32 $0xFFFFF000  }
0x84: {  	v16 =	vor.u32 $0x18, v31;
	v1 =	vld.idx.msk [tilespmem:v5+s5+$0x0], $0xffff  }
0x85: {  	v18 =	vor.u32 $0x17, v31;
	v7 =	vld.idx.msk [tilespmem:v8+s5+$0x0], $0xffff  }
0x86: {  	v20 =	vor.u32 $0x16, v31;
	v9 =	vld.idx.msk [tilespmem:v10+s5+$0x0], $0xffff  }
0x87: {  	v22 =	vor.u32 $0x15, v31;
	v11 =	vld.idx.msk [tilespmem:v12+s5+$0x0], $0xffff  }
0x88: {  	v24 =	vor.u32 $0x14, v31;
	v13 =	vld.idx.msk [tilespmem:v14+s5+$0x0], $0xffff  }
0x89: {  	v26 =	vor.u32 $0x13, v31;
	v15 =	vld.idx.msk [tilespmem:v16+s5+$0x0], $0xffff  }
0x8a: {  	v28 =	vor.u32 $0x12, v31;
	v17 =	vld.idx.msk [tilespmem:v18+s5+$0x0], $0xffff  }
0x8b: {  	v30 =	vor.u32 $0x11, v31;
	v19 =	vld.idx.msk [tilespmem:v20+s5+$0x0], $0xffff  }
0x8c: {  	v32 =	vor.u32 $0x10, v31;
	v21 =	vld.idx.msk [tilespmem:v22+s5+$0x0], $0xffff  }
0x8d: {  	v33 =	vor.u32 $0xF, v31;
	v23 =	vld.idx.msk [tilespmem:v24+s5+$0x0], $0xffff  }
0x8e: {  	v34 =	vor.u32 $0xE, v31;
	v25 =	vld.idx.msk [tilespmem:v26+s5+$0x0], $0xffff  }
0x8f: {  	v35 =	vor.u32 $0xD, v31;
	v27 =	vld.idx.msk [tilespmem:v28+s5+$0x0], $0xffff  }
0x90: {  	v37 =	vor.u32 $0xB, v31;
	v29 =	vld.idx.msk [tilespmem:v30+s5+$0x0], $0xffff  }
0x91: {  	v42 =	vor.u32 $0x4, v31;
	v38 =	vld.idx.msk [tilespmem:v32+s5+$0x0], $0xffff  }
0x92: {  	v44 =	vor.u32 $0x3, v31;
	v40 =	vld.idx.msk [tilespmem:v33+s5+$0x0], $0xffff  }
0x93: {  	v46 =	vor.u32 $0x2, v31;
	v41 =	vld.idx.msk [tilespmem:v34+s5+$0x0], $0xffff  }
0x94: {  	v48 =	vor.u32 $0x1, v31;
	v43 =	vld.idx.msk [tilespmem:v35+s5+$0x0], $0xffff  }
0x95: {  	v47 =	vld.idx.msk [tilespmem:v37+s5+$0x0], $0xffff  }
0x96: {  	v50 =	vld.idx.msk [tilespmem:v42+s5+$0x0], $0xffff  }
0x97: {  	v51 =	vld.idx.msk [tilespmem:v44+s5+$0x0], $0xffff  }
0x98: {  	v52 =	vld.idx.msk [tilespmem:v46+s5+$0x0], $0xffff  }
0x99: {  	v53 =	vld.idx.msk [tilespmem:v48+s5+$0x0], $0xffff  }
0x9a: {  	v4 =	vor.u32 $0x1E, v31;
	v54 =	vld.idx.msk [tilespmem:v31+s5+$0x0], $0xffff  }
0x9b: {  	v55 =	vld.idx.msk [tilespmem:v31+s1+$0x0], $0xffff  }
0x9c: {  	v56 =	vld.idx.msk [tilespmem:v31+s6+$0x0], $0xffff  }
0x9d: {  	v57 =	vld.idx.msk [tilespmem:v48+s1+$0x0], $0xffff  }
0x9e: {  	v48 =	vld.idx.msk [tilespmem:v48+s6+$0x0], $0xffff  }
0x9f: {  	v6 =	vor.u32 $0x1D, v31;
	[tilespmem:$0x1FFB0] =	vst v1;
	v1 =	vld.idx.msk [tilespmem:v4+s5+$0x0], $0xffff  }
0xa0: {  	v59 =	vor.u32 $0x9, v31;
	v58 =	vld.idx.msk [tilespmem:v46+s1+$0x0], $0xffff  }
0xa1: {  	v62 =	vor.u32 $0x7, v31;
	v46 =	vld.idx.msk [tilespmem:v46+s6+$0x0], $0xffff  }
0xa2: {  	v36 =	vor.u32 $0xC, v31;
	v63 =	vor.u32 $0x6, v31;
	v61 =	vld.idx.msk [tilespmem:v44+s1+$0x0], $0xffff  }
0xa3: {  	v39 =	vor.u32 $0xA, v31;
	v60 =	vor.u32 $0x8, v31;
	v44 =	vld.idx.msk [tilespmem:v44+s6+$0x0], $0xffff;
	v31 =	vor.u32 $0x5, v31  }
0xa4: {  	[tilespmem:$0x1FFA0] =	vst v1;
	v1 =	vld.idx.msk [tilespmem:v6+s5+$0x0], $0xffff  }
0xa5: {  	v3 =	vld.idx.msk [tilespmem:v59+s5+$0x0], $0xffff  }
0xa6: {  	v2 =	vld.idx.msk [tilespmem:v62+s5+$0x0], $0xffff;
	v54 =	vmul.f32 v54, v55;
	v55 =	vmul.f32 v56, v55  }
0xa7: {  	v53 =	vmul.f32 v53, v57;
	v48 =	vmul.f32 v48, v57;
	v57 =	vld.idx.msk [tilespmem:v63+s5+$0x0], $0xffff  }
0xa8: {  	v52 =	vmul.f32 v52, v58;
	v46 =	vmul.f32 v46, v58;
	v58 =	vld.idx.msk [tilespmem:v31+s1+$0x0], $0xffff;
	v54 =	vadd.f32 $0.0e+00, v54  }
0xa9: {  	v55 =	vadd.f32 $0.0e+00, v55;
	[tilespmem:$0x1FF90] =	vst v1;
	v1 =	vld.idx.msk [tilespmem:v42+s1+$0x0], $0xffff  }
0xaa: {  	v53 =	vadd.f32 v53, v54;
	v42 =	vld.idx.msk [tilespmem:v42+s6+$0x0], $0xffff  }
0xab: {  	v54 =	vld.idx.msk [tilespmem:v31+s5+$0x0], $0xffff;
	v48 =	vadd.f32 v48, v55  }
0xac: {  	v51 =	vmul.f32 v51, v61;
	v31 =	vld.idx.msk [tilespmem:v31+s6+$0x0], $0xffff;
	v52 =	vadd.f32 v52, v53  }
0xad: {  	v44 =	vmul.f32 v44, v61;
	v46 =	vadd.f32 v46, v48;
	v48 =	vld.idx.msk [tilespmem:v63+s1+$0x0], $0xffff  }
0xae: {  	v56 =	vld.idx.msk [tilespmem:v60+s5+$0x0], $0xffff;
	v51 =	vadd.f32 v51, v52;
	v50 =	vmul.f32 v50, v1  }
0xaf: {  	v44 =	vadd.f32 v44, v46;
	v1 =	vmul.f32 v42, v1;
	v42 =	vld.idx.msk [tilespmem:v62+s1+$0x0], $0xffff  }
0xb0: {  	v52 =	vld.idx.msk [tilespmem:v63+s6+$0x0], $0xffff;
	v63 =	vmul.f32 v54, v58;
	v61 =	vadd.f32 v50, v51  }
0xb1: {  	v1 =	vadd.f32 v1, v44;
	v44 =	vld.idx.msk [tilespmem:v60+s1+$0x0], $0xffff  }
0xb2: {  	v31 =	vmul.f32 v31, v58;
	v58 =	vld.idx.msk [tilespmem:v60+s6+$0x0], $0xffff;
	v60 =	vmul.f32 v57, v48;
	v46 =	vadd.f32 v63, v61  }
0xb3: {  	v61 =	vld.idx.msk [tilespmem:v59+s1+$0x0], $0xffff  }
0xb4: {  	v49 =	vld.idx.msk [tilespmem:v39+s5+$0x0], $0xffff;
	v2 =	vmul.f32 v2, v42;
	v46 =	vadd.f32 v60, v46  }
0xb5: {  	v1 =	vadd.f32 v31, v1;
	v63 =	vld.idx.msk [tilespmem:v39+s1+$0x0], $0xffff  }
0xb6: {  	v50 =	vld.idx.msk [tilespmem:v62+s6+$0x0], $0xffff;
	v31 =	vmul.f32 v52, v48;
	v52 =	vmul.f32 v56, v44;
	v2 =	vadd.f32 v2, v46  }
0xb7: {  	v55 =	vld.idx.msk [tilespmem:v37+s1+$0x0], $0xffff  }
0xb8: {  	v45 =	vld.idx.msk [tilespmem:v36+s5+$0x0], $0xffff;
	v3 =	vmul.f32 v3, v61;
	v2 =	vadd.f32 v52, v2  }
0xb9: {  	v56 =	vld.idx.msk [tilespmem:v36+s1+$0x0], $0xffff  }
0xba: {  	v62 =	vld.idx.msk [tilespmem:v59+s6+$0x0], $0xffff;
	v2 =	vadd.f32 v3, v2;
	v3 =	vmul.f32 v49, v63  }
0xbb: {  	v57 =	vld.idx.msk [tilespmem:v35+s1+$0x0], $0xffff;
	v1 =	vadd.f32 v31, v1;
	v31 =	vmul.f32 v50, v42  }
0xbc: {  	v39 =	vld.idx.msk [tilespmem:v39+s6+$0x0], $0xffff;
	v2 =	vadd.f32 v3, v2;
	v3 =	vmul.f32 v47, v55  }
0xbd: {  	v1 =	vadd.f32 v31, v1;
	v31 =	vmul.f32 v58, v44;
	v58 =	vld.idx.msk [tilespmem:v34+s1+$0x0], $0xffff  }
0xbe: {  	v37 =	vld.idx.msk [tilespmem:v37+s6+$0x0], $0xffff;
	v2 =	vadd.f32 v3, v2;
	v3 =	vmul.f32 v45, v56  }
0xbf: {  	v59 =	vld.idx.msk [tilespmem:v33+s1+$0x0], $0xffff;
	v1 =	vadd.f32 v31, v1;
	v31 =	vmul.f32 v62, v61  }
0xc0: {  	v36 =	vld.idx.msk [tilespmem:v36+s6+$0x0], $0xffff;
	v2 =	vadd.f32 v3, v2;
	v3 =	vmul.f32 v43, v57  }
0xc1: {  	v60 =	vld.idx.msk [tilespmem:v32+s1+$0x0], $0xffff;
	v1 =	vadd.f32 v31, v1;
	v31 =	vmul.f32 v39, v63  }
0xc2: {  	v35 =	vld.idx.msk [tilespmem:v35+s6+$0x0], $0xffff;
	v2 =	vadd.f32 v3, v2;
	v3 =	vmul.f32 v41, v58  }
0xc3: {  	v61 =	vld.idx.msk [tilespmem:v30+s1+$0x0], $0xffff;
	v1 =	vadd.f32 v31, v1;
	v31 =	vmul.f32 v37, v55  }
0xc4: {  	v34 =	vld.idx.msk [tilespmem:v34+s6+$0x0], $0xffff;
	v2 =	vadd.f32 v3, v2;
	v3 =	vmul.f32 v40, v59  }
0xc5: {  	v62 =	vld.idx.msk [tilespmem:v28+s1+$0x0], $0xffff;
	v1 =	vadd.f32 v31, v1;
	v31 =	vmul.f32 v36, v56  }
0xc6: {  	v33 =	vld.idx.msk [tilespmem:v33+s6+$0x0], $0xffff;
	v2 =	vadd.f32 v3, v2;
	v3 =	vmul.f32 v38, v60  }
0xc7: {  	v63 =	vld.idx.msk [tilespmem:v26+s1+$0x0], $0xffff;
	v1 =	vadd.f32 v31, v1;
	v31 =	vmul.f32 v35, v57  }
0xc8: {  	v32 =	vld.idx.msk [tilespmem:v32+s6+$0x0], $0xffff;
	v2 =	vadd.f32 v3, v2;
	v3 =	vmul.f32 v29, v61  }
0xc9: {  	v1 =	vadd.f32 v31, v1;
	v31 =	vmul.f32 v34, v58;
	v29 =	vld.idx.msk [tilespmem:v24+s1+$0x0], $0xffff  }
0xca: {  	v30 =	vld.idx.msk [tilespmem:v30+s6+$0x0], $0xffff;
	v2 =	vadd.f32 v3, v2;
	v3 =	vmul.f32 v27, v62  }
0xcb: {  	v1 =	vadd.f32 v31, v1;
	v31 =	vmul.f32 v33, v59;
	v27 =	vld.idx.msk [tilespmem:v22+s1+$0x0], $0xffff  }
0xcc: {  	v28 =	vld.idx.msk [tilespmem:v28+s6+$0x0], $0xffff;
	v2 =	vadd.f32 v3, v2;
	v3 =	vmul.f32 v25, v63  }
0xcd: {  	v1 =	vadd.f32 v31, v1;
	v31 =	vmul.f32 v32, v60;
	v25 =	vld.idx.msk [tilespmem:v20+s1+$0x0], $0xffff  }
0xce: {  	v26 =	vld.idx.msk [tilespmem:v26+s6+$0x0], $0xffff;
	v2 =	vadd.f32 v3, v2;
	v3 =	vmul.f32 v23, v29  }
0xcf: {  	v30 =	vmul.f32 v30, v61;
	v1 =	vadd.f32 v31, v1;
	v23 =	vld.idx.msk [tilespmem:v18+s1+$0x0], $0xffff  }
0xd0: {  	v24 =	vld.idx.msk [tilespmem:v24+s6+$0x0], $0xffff;
	v2 =	vadd.f32 v3, v2;
	v3 =	vmul.f32 v21, v27  }
0xd1: {  	v28 =	vmul.f32 v28, v62;
	v1 =	vadd.f32 v30, v1;
	v21 =	vld.idx.msk [tilespmem:v16+s1+$0x0], $0xffff  }
0xd2: {  	v22 =	vld.idx.msk [tilespmem:v22+s6+$0x0], $0xffff;
	v2 =	vadd.f32 v3, v2;
	v3 =	vmul.f32 v19, v25  }
0xd3: {  	v26 =	vmul.f32 v26, v63;
	v1 =	vadd.f32 v28, v1;
	v19 =	vld.idx.msk [tilespmem:v14+s1+$0x0], $0xffff  }
0xd4: {  	v20 =	vld.idx.msk [tilespmem:v20+s6+$0x0], $0xffff;
	v2 =	vadd.f32 v3, v2;
	v3 =	vmul.f32 v17, v23  }
0xd5: {  	v24 =	vmul.f32 v24, v29;
	v1 =	vadd.f32 v26, v1;
	v17 =	vld.idx.msk [tilespmem:v12+s1+$0x0], $0xffff  }
0xd6: {  	v18 =	vld.idx.msk [tilespmem:v18+s6+$0x0], $0xffff;
	v2 =	vadd.f32 v3, v2;
	v3 =	vmul.f32 v15, v21  }
0xd7: {  	v22 =	vmul.f32 v22, v27;
	v1 =	vadd.f32 v24, v1;
	v15 =	vld.idx.msk [tilespmem:v10+s1+$0x0], $0xffff  }
0xd8: {  	v16 =	vld.idx.msk [tilespmem:v16+s6+$0x0], $0xffff;
	v2 =	vadd.f32 v3, v2;
	v3 =	vmul.f32 v13, v19  }
0xd9: {  	v20 =	vmul.f32 v20, v25;
	v1 =	vadd.f32 v22, v1;
	v13 =	vld.idx.msk [tilespmem:v8+s1+$0x0], $0xffff  }
0xda: {  	v14 =	vld.idx.msk [tilespmem:v14+s6+$0x0], $0xffff;
	v2 =	vadd.f32 v3, v2;
	v3 =	vmul.f32 v11, v17  }
0xdb: {  	v18 =	vmul.f32 v18, v23;
	v1 =	vadd.f32 v20, v1  }
0xdc: {  	v12 =	vld.idx.msk [tilespmem:v12+s6+$0x0], $0xffff;
	v2 =	vadd.f32 v3, v2;
	v3 =	vmul.f32 v9, v15  }
0xdd: {  	v16 =	vmul.f32 v16, v21;
	v10 =	vld.idx.msk [tilespmem:v10+s6+$0x0], $0xffff;
	v1 =	vadd.f32 v18, v1  }
0xde: {  	v8 =	vld.idx.msk [tilespmem:v8+s6+$0x0], $0xffff;
	v2 =	vadd.f32 v3, v2;
	v3 =	vmul.f32 v7, v13  }
0xdf: {  	v14 =	vmul.f32 v14, v19;
	v1 =	vadd.f32 v16, v1;
	v11 =	vld.idx.msk [tilespmem:v6+s1+$0x0], $0xffff  }
0xe0: {  	v2 =	vadd.f32 v3, v2;
	v3 =	vld [tilespmem:$0x1FF90]  }
0xe1: {  	v12 =	vmul.f32 v12, v17;
	v1 =	vadd.f32 v14, v1;
	_ =	sdelay $0x1  }
0xe2: {  	v10 =	vmul.f32 v10, v15;
	v1 =	vadd.f32 v12, v1  }
0xe3: {  	v6 =	vld.idx.msk [tilespmem:v6+s6+$0x0], $0xffff  }
0xe4: {  	v9 =	vld.idx.msk [tilespmem:v4+s1+$0x0], $0xffff;
	v8 =	vmul.f32 v8, v13;
	v1 =	vadd.f32 v10, v1;
	v3 =	vmul.f32 v3, v11  }
0xe5: {  	s25 =	simm.s32 $0x10;
	v4 =	vld.idx.msk [tilespmem:v4+s6+$0x0], $0xffff  }
0xe6: {  	v1 =	vadd.f32 v8, v1;
	v8 =	vmov s25;
	v2 =	vadd.f32 v3, v2;
	v3 =	vld [tilespmem:$0x1FFA0]  }
0xe7: {  	v7 =	vld.idx.msk [tilespmem:v5+s1+$0x0], $0xffff;
	v8 =	vshll.u32 v8, $0x5  }
0xe8: {  	v45 =	vor.u32 v0, v8;
	v0 =	vld [tilespmem:$0x1FFB0]  }
0xe9: {  	v5 =	vld.idx.msk [tilespmem:v5+s6+$0x0], $0xffff  }
0xea: {  	v6 =	vmul.f32 v6, v11  }
0xeb: {  	v3 =	vmul.f32 v3, v9  }
0xec: {  	v4 =	vmul.f32 v4, v9;
	v6 =	vadd.f32 v6, v1  }
0xed: {  	v8 =	vmul.f32 v0, v7;
	v2 =	vadd.f32 v3, v2  }
0xee: {  	v5 =	vmul.f32 v5, v7;
	v1 =	vor.u32 $0x1F, v45;
	v4 =	vadd.f32 v4, v6  }
0xef: {  	v3 =	vor.u32 $0x1E, v45;
	v2 =	vadd.f32 v8, v2  }
0xf0: {  	v10 =	vor.u32 $0x1B, v45;
	v4 =	vadd.f32 v5, v4  }
0xf1: {  	v12 =	vor.u32 $0x1A, v45;
	[tilespmem:s21+$0x0] =	vst v2  }
0xf2: {  	v14 =	vor.u32 $0x19, v45;
	[tilespmem:s22+$0x0] =	vst v4  }
0xf3: {  	v16 =	vor.u32 $0x18, v45;
	v63 =	vld.idx.msk [tilespmem:v1+s5+$0x0], $0xffff  }
0xf4: {  	v18 =	vor.u32 $0x17, v45;
	v0 =	vld.idx.msk [tilespmem:v3+s5+$0x0], $0xffff  }
0xf5: {  	v20 =	vor.u32 $0x16, v45;
	v9 =	vld.idx.msk [tilespmem:v10+s5+$0x0], $0xffff  }
0xf6: {  	v22 =	vor.u32 $0x15, v45;
	v11 =	vld.idx.msk [tilespmem:v12+s5+$0x0], $0xffff  }
0xf7: {  	v24 =	vor.u32 $0x14, v45;
	v13 =	vld.idx.msk [tilespmem:v14+s5+$0x0], $0xffff  }
0xf8: {  	v26 =	vor.u32 $0x13, v45;
	v15 =	vld.idx.msk [tilespmem:v16+s5+$0x0], $0xffff  }
0xf9: {  	v28 =	vor.u32 $0x12, v45;
	v17 =	vld.idx.msk [tilespmem:v18+s5+$0x0], $0xffff  }
0xfa: {  	v30 =	vor.u32 $0x11, v45;
	v19 =	vld.idx.msk [tilespmem:v20+s5+$0x0], $0xffff  }
0xfb: {  	v32 =	vor.u32 $0x10, v45;
	v21 =	vld.idx.msk [tilespmem:v22+s5+$0x0], $0xffff  }
0xfc: {  	v34 =	vor.u32 $0xF, v45;
	v23 =	vld.idx.msk [tilespmem:v24+s5+$0x0], $0xffff  }
0xfd: {  	v36 =	vor.u32 $0xE, v45;
	v25 =	vld.idx.msk [tilespmem:v26+s5+$0x0], $0xffff  }
0xfe: {  	v6 =	vor.u32 $0x1D, v45;
	v27 =	vld.idx.msk [tilespmem:v28+s5+$0x0], $0xffff  }
0xff: {  	v38 =	vor.u32 $0xD, v45;
	v29 =	vld.idx.msk [tilespmem:v30+s5+$0x0], $0xffff  }
0x100: {  	v40 =	vor.u32 $0xC, v45;
	v31 =	vld.idx.msk [tilespmem:v32+s5+$0x0], $0xffff  }
0x101: {  	v42 =	vor.u32 $0xB, v45;
	v33 =	vld.idx.msk [tilespmem:v34+s5+$0x0], $0xffff  }
0x102: {  	v44 =	vor.u32 $0xA, v45;
	v35 =	vld.idx.msk [tilespmem:v36+s5+$0x0], $0xffff  }
0x103: {  	v8 =	vor.u32 $0x1C, v45;
	[tilespmem:$0x1FFC0] =	vst v0;
	v0 =	vld.idx.msk [tilespmem:v6+s5+$0x0], $0xffff  }
0x104: {  	v47 =	vor.u32 $0x9, v45;
	v37 =	vld.idx.msk [tilespmem:v38+s5+$0x0], $0xffff  }
0x105: {  	v49 =	vor.u32 $0x8, v45;
	v39 =	vld.idx.msk [tilespmem:v40+s5+$0x0], $0xffff  }
0x106: {  	v51 =	vor.u32 $0x7, v45;
	v41 =	vld.idx.msk [tilespmem:v42+s5+$0x0], $0xffff  }
0x107: {  	v53 =	vor.u32 $0x6, v45;
	v43 =	vld.idx.msk [tilespmem:v44+s5+$0x0], $0xffff  }
0x108: {  	v55 =	vor.u32 $0x5, v45;
	[tilespmem:$0x1FFD0] =	vst v0;
	v0 =	vld.idx.msk [tilespmem:v8+s5+$0x0], $0xffff  }
0x109: {  	v46 =	vld.idx.msk [tilespmem:v47+s5+$0x0], $0xffff  }
0x10a: {  	v48 =	vld.idx.msk [tilespmem:v49+s5+$0x0], $0xffff  }
0x10b: {  	v50 =	vld.idx.msk [tilespmem:v51+s5+$0x0], $0xffff  }
0x10c: {  	v56 =	vor.u32 $0x4, v45;
	v52 =	vld.idx.msk [tilespmem:v53+s5+$0x0], $0xffff  }
0x10d: {  	s9 =	simm.s32 $0xC800;
	s24 =	simm.s32 $0xC600;
	s25 =	simm.s32 $0x20;
	v57 =	vor.u32 $0x3, v45;
	v58 =	vor.u32 $0x2, v45;
	v59 =	vor.u32 $0x1, v45;
	v54 =	vld.idx.msk [tilespmem:v55+s5+$0x0], $0xffff;
	[tilespmem:$0x1FFE0] =	vst v0  }
.LBB2_2:
0x10e: {  	_ =	sdelay $0x2  }
0x10f: {  	v60 =	vld.idx.msk [tilespmem:v56+s5+$0x0], $0xffff  }
0x110: {  	v61 =	vld.idx.msk [tilespmem:v57+s5+$0x0], $0xffff  }
0x111: {  	v62 =	vld.idx.msk [tilespmem:v58+s5+$0x0], $0xffff  }
0x112: {  	v0 =	vld.idx.msk [tilespmem:v45+s5+$0x0], $0xffff  }
0x113: {  	v2 =	vld.idx.msk [tilespmem:v45+s1+$0x0], $0xffff  }
0x114: {  	v45 =	vld.idx.msk [tilespmem:v45+s6+$0x0], $0xffff  }
0x115: {  	v4 =	vld.idx.msk [tilespmem:v59+s1+$0x0], $0xffff  }
0x116: {  	[tilespmem:$0x1FF80] =	vst v63;
	v63 =	vld.idx.msk [tilespmem:v59+s5+$0x0], $0xffff  }
0x117: {  	v59 =	vld.idx.msk [tilespmem:v59+s6+$0x0], $0xffff  }
0x118: {  	v5 =	vld.idx.msk [tilespmem:v58+s1+$0x0], $0xffff  }
0x119: {  	v58 =	vld.idx.msk [tilespmem:v58+s6+$0x0], $0xffff;
	v0 =	vmul.f32 v0, v2  }
0x11a: {  	v7 =	vld.idx.msk [tilespmem:v57+s1+$0x0], $0xffff;
	v2 =	vmul.f32 v45, v2  }
0x11b: {  	v45 =	vld.idx.msk [tilespmem:v57+s6+$0x0], $0xffff;
	v0 =	vadd.f32 $0.0e+00, v0;
	v57 =	vmul.f32 v63, v4  }
0x11c: {  	v2 =	vadd.f32 $0.0e+00, v2;
	v63 =	vld.idx.msk [tilespmem:v56+s1+$0x0], $0xffff;
	v4 =	vmul.f32 v59, v4  }
0x11d: {  	v62 =	vmul.f32 v62, v5;
	v56 =	vld.idx.msk [tilespmem:v56+s6+$0x0], $0xffff;
	v0 =	vadd.f32 v57, v0  }
0x11e: {  	v59 =	vld.idx.msk [tilespmem:v55+s1+$0x0], $0xffff;
	v2 =	vadd.f32 v4, v2;
	v4 =	vmul.f32 v58, v5  }
0x11f: {  	v5 =	vld.idx.msk [tilespmem:v55+s6+$0x0], $0xffff;
	v0 =	vadd.f32 v62, v0;
	v62 =	vmul.f32 v61, v7  }
0x120: {  	v57 =	vld.idx.msk [tilespmem:v53+s1+$0x0], $0xffff;
	v2 =	vadd.f32 v4, v2;
	v4 =	vmul.f32 v45, v7  }
0x121: {  	v7 =	vld.idx.msk [tilespmem:v53+s6+$0x0], $0xffff;
	v58 =	vmul.f32 v60, v63;
	v0 =	vadd.f32 v62, v0  }
0x122: {  	v60 =	vld.idx.msk [tilespmem:v51+s1+$0x0], $0xffff;
	v2 =	vadd.f32 v4, v2;
	v4 =	vmul.f32 v56, v63  }
0x123: {  	v61 =	vld.idx.msk [tilespmem:v51+s6+$0x0], $0xffff;
	v62 =	vmul.f32 v54, v59;
	v0 =	vadd.f32 v58, v0  }
0x124: {  	v63 =	vld.idx.msk [tilespmem:v49+s1+$0x0], $0xffff;
	v2 =	vadd.f32 v4, v2;
	v4 =	vmul.f32 v5, v59  }
0x125: {  	v55 =	vmul.f32 v52, v57;
	v5 =	vld.idx.msk [tilespmem:v49+s6+$0x0], $0xffff;
	v0 =	vadd.f32 v62, v0  }
0x126: {  	v56 =	vld.idx.msk [tilespmem:v47+s1+$0x0], $0xffff;
	v2 =	vadd.f32 v4, v2;
	v4 =	vmul.f32 v7, v57  }
0x127: {  	v7 =	vld.idx.msk [tilespmem:v47+s6+$0x0], $0xffff;
	v58 =	vmul.f32 v50, v60;
	v0 =	vadd.f32 v55, v0  }
0x128: {  	v59 =	vld.idx.msk [tilespmem:v44+s1+$0x0], $0xffff;
	v2 =	vadd.f32 v4, v2;
	v4 =	vmul.f32 v61, v60  }
0x129: {  	v60 =	vld.idx.msk [tilespmem:v44+s6+$0x0], $0xffff;
	v61 =	vmul.f32 v48, v63;
	v0 =	vadd.f32 v58, v0  }
0x12a: {  	v62 =	vld.idx.msk [tilespmem:v42+s1+$0x0], $0xffff;
	v2 =	vadd.f32 v4, v2;
	v4 =	vmul.f32 v5, v63  }
0x12b: {  	v5 =	vld.idx.msk [tilespmem:v42+s6+$0x0], $0xffff;
	v63 =	vmul.f32 v46, v56;
	v0 =	vadd.f32 v61, v0  }
0x12c: {  	v50 =	vld.idx.msk [tilespmem:v40+s1+$0x0], $0xffff;
	v2 =	vadd.f32 v4, v2;
	v4 =	vmul.f32 v7, v56  }
0x12d: {  	v51 =	vmul.f32 v43, v59;
	v7 =	vld.idx.msk [tilespmem:v40+s6+$0x0], $0xffff;
	v0 =	vadd.f32 v63, v0  }
0x12e: {  	v52 =	vld.idx.msk [tilespmem:v38+s1+$0x0], $0xffff;
	v2 =	vadd.f32 v4, v2;
	v4 =	vmul.f32 v60, v59  }
0x12f: {  	v53 =	vld.idx.msk [tilespmem:v38+s6+$0x0], $0xffff;
	v54 =	vmul.f32 v41, v62;
	v0 =	vadd.f32 v51, v0  }
0x130: {  	v55 =	vld.idx.msk [tilespmem:v36+s1+$0x0], $0xffff;
	v2 =	vadd.f32 v4, v2;
	v4 =	vmul.f32 v5, v62  }
0x131: {  	v56 =	vmul.f32 v39, v50;
	v5 =	vld.idx.msk [tilespmem:v36+s6+$0x0], $0xffff;
	v0 =	vadd.f32 v54, v0  }
0x132: {  	v57 =	vld.idx.msk [tilespmem:v34+s1+$0x0], $0xffff;
	v2 =	vadd.f32 v4, v2;
	v4 =	vmul.f32 v7, v50  }
0x133: {  	v58 =	vmul.f32 v37, v52;
	v7 =	vld.idx.msk [tilespmem:v34+s6+$0x0], $0xffff;
	v0 =	vadd.f32 v56, v0  }
0x134: {  	v59 =	vld.idx.msk [tilespmem:v32+s1+$0x0], $0xffff;
	v2 =	vadd.f32 v4, v2;
	v4 =	vmul.f32 v53, v52  }
0x135: {  	v61 =	vmul.f32 v35, v55;
	v60 =	vld.idx.msk [tilespmem:v32+s6+$0x0], $0xffff;
	v0 =	vadd.f32 v58, v0  }
0x136: {  	v62 =	vld.idx.msk [tilespmem:v30+s1+$0x0], $0xffff;
	v2 =	vadd.f32 v4, v2;
	v4 =	vmul.f32 v5, v55  }
0x137: {  	v5 =	vld.idx.msk [tilespmem:v30+s6+$0x0], $0xffff;
	v30 =	vmul.f32 v33, v57;
	v0 =	vadd.f32 v61, v0  }
0x138: {  	v63 =	vld.idx.msk [tilespmem:v28+s1+$0x0], $0xffff;
	v2 =	vadd.f32 v4, v2;
	v4 =	vmul.f32 v7, v57  }
0x139: {  	v7 =	vld.idx.msk [tilespmem:v28+s6+$0x0], $0xffff;
	v28 =	vmul.f32 v31, v59;
	v0 =	vadd.f32 v30, v0  }
0x13a: {  	v30 =	vld.idx.msk [tilespmem:v26+s1+$0x0], $0xffff;
	v2 =	vadd.f32 v4, v2;
	v4 =	vmul.f32 v60, v59  }
0x13b: {  	v26 =	vld.idx.msk [tilespmem:v26+s6+$0x0], $0xffff;
	v0 =	vadd.f32 v28, v0;
	v28 =	vmul.f32 v29, v62  }
0x13c: {  	v29 =	vld.idx.msk [tilespmem:v24+s1+$0x0], $0xffff;
	v2 =	vadd.f32 v4, v2;
	v4 =	vmul.f32 v5, v62  }
0x13d: {  	v5 =	vld.idx.msk [tilespmem:v24+s6+$0x0], $0xffff;
	v24 =	vmul.f32 v27, v63;
	v0 =	vadd.f32 v28, v0  }
0x13e: {  	v27 =	vld.idx.msk [tilespmem:v22+s1+$0x0], $0xffff;
	v2 =	vadd.f32 v4, v2;
	v4 =	vmul.f32 v7, v63  }
0x13f: {  	v7 =	vld.idx.msk [tilespmem:v22+s6+$0x0], $0xffff;
	v22 =	vmul.f32 v25, v30;
	v0 =	vadd.f32 v24, v0  }
0x140: {  	v24 =	vld.idx.msk [tilespmem:v20+s1+$0x0], $0xffff;
	v2 =	vadd.f32 v4, v2;
	v4 =	vmul.f32 v26, v30  }
0x141: {  	v20 =	vld.idx.msk [tilespmem:v20+s6+$0x0], $0xffff;
	v0 =	vadd.f32 v22, v0;
	v22 =	vmul.f32 v23, v29  }
0x142: {  	v23 =	vld.idx.msk [tilespmem:v18+s1+$0x0], $0xffff;
	v2 =	vadd.f32 v4, v2;
	v4 =	vmul.f32 v5, v29  }
0x143: {  	v5 =	vld.idx.msk [tilespmem:v18+s6+$0x0], $0xffff;
	v18 =	vmul.f32 v21, v27;
	v0 =	vadd.f32 v22, v0  }
0x144: {  	v21 =	vld.idx.msk [tilespmem:v16+s1+$0x0], $0xffff;
	v2 =	vadd.f32 v4, v2;
	v4 =	vmul.f32 v7, v27  }
0x145: {  	v7 =	vld.idx.msk [tilespmem:v16+s6+$0x0], $0xffff;
	v16 =	vmul.f32 v19, v24;
	v0 =	vadd.f32 v18, v0  }
0x146: {  	v18 =	vld.idx.msk [tilespmem:v14+s1+$0x0], $0xffff;
	v2 =	vadd.f32 v4, v2;
	v4 =	vmul.f32 v20, v24  }
0x147: {  	v14 =	vld.idx.msk [tilespmem:v14+s6+$0x0], $0xffff;
	v0 =	vadd.f32 v16, v0;
	v16 =	vmul.f32 v17, v23  }
0x148: {  	v17 =	vld.idx.msk [tilespmem:v12+s1+$0x0], $0xffff;
	v2 =	vadd.f32 v4, v2;
	v4 =	vmul.f32 v5, v23  }
0x149: {  	v5 =	vld.idx.msk [tilespmem:v12+s6+$0x0], $0xffff;
	v12 =	vmul.f32 v15, v21;
	v0 =	vadd.f32 v16, v0  }
0x14a: {  	v15 =	vld.idx.msk [tilespmem:v10+s1+$0x0], $0xffff;
	v2 =	vadd.f32 v4, v2;
	v4 =	vmul.f32 v7, v21  }
0x14b: {  	v7 =	vld.idx.msk [tilespmem:v10+s6+$0x0], $0xffff;
	v10 =	vmul.f32 v13, v18;
	v0 =	vadd.f32 v12, v0  }
0x14c: {  	v12 =	vld.idx.msk [tilespmem:v8+s1+$0x0], $0xffff;
	v2 =	vadd.f32 v4, v2;
	v4 =	vmul.f32 v14, v18  }
0x14d: {  	v8 =	vld.idx.msk [tilespmem:v8+s6+$0x0], $0xffff;
	v0 =	vadd.f32 v10, v0;
	v10 =	vmul.f32 v11, v17  }
0x14e: {  	v11 =	vld.idx.msk [tilespmem:v6+s1+$0x0], $0xffff;
	v2 =	vadd.f32 v4, v2;
	v4 =	vmul.f32 v5, v17  }
0x14f: {  	v5 =	vld.idx.msk [tilespmem:v6+s6+$0x0], $0xffff;
	v6 =	vmul.f32 v9, v15;
	v0 =	vadd.f32 v10, v0  }
0x150: {  	v2 =	vadd.f32 v4, v2;
	v4 =	vmul.f32 v7, v15;
	v7 =	vld.idx.msk [tilespmem:v1+s1+$0x0], $0xffff  }
0x151: {  	v0 =	vadd.f32 v6, v0;
	v6 =	vld [tilespmem:$0x1FFE0]  }
0x152: {  	v2 =	vadd.f32 v4, v2;
	v4 =	vmul.f32 v8, v12;
	v8 =	vld.idx.msk [tilespmem:v1+s6+$0x0], $0xffff  }
0x153: {  	v1 =	vld [tilespmem:$0x1FFD0];
	_ =	sdelay $0x2  }
0x154: {  	v6 =	vmul.f32 v6, v12;
	_ =	sdelay $0x1  }
0x155: {  	v1 =	vmul.f32 v1, v11;
	v0 =	vadd.f32 v6, v0  }
0x156: {  	v9 =	vld.idx.msk [tilespmem:v3+s1+$0x0], $0xffff  }
0x157: {  	v0 =	vadd.f32 v1, v0;
	v1 =	vld [tilespmem:$0x1FFC0];
	_ =	sdelay $0x3  }
0x158: {  	v2 =	vadd.f32 v4, v2;
	v4 =	vmul.f32 v5, v11  }
0x159: {  	v3 =	vld.idx.msk [tilespmem:v3+s6+$0x0], $0xffff;
	v1 =	vmul.f32 v1, v9  }
0x15a: {  	v2 =	vadd.f32 v4, v2;
	v4 =	vld [tilespmem:$0x1FFF0]  }
0x15b: {  	v0 =	vadd.f32 v1, v0;
	v1 =	vld [tilespmem:$0x1FF80];
	_ =	sdelay $0x2  }
0x15c: {  	v5 =	vmov s25  }
0x15d: {  	v3 =	vmul.f32 v3, v9;
	v5 =	vshll.u32 v5, $0x5  }
0x15e: {  	v45 =	vor.u32 v4, v5;
	v4 =	vmul.f32 v1, v7  }
0x15f: {  	v2 =	vadd.f32 v3, v2;
	v5 =	vmul.f32 v8, v7;
	v1 =	vor.u32 $0x1F, v45  }
0x160: {  	v3 =	vor.u32 $0x1E, v45;
	v0 =	vadd.f32 v4, v0  }
0x161: {  	s24 =	sadd.s32 $0x10, s24;
	v10 =	vor.u32 $0x1B, v45;
	v2 =	vadd.f32 v5, v2  }
0x162: {  	s9 =	sadd.s32 $0x10, s9;
	v12 =	vor.u32 $0x1A, v45;
	[tilespmem:s24+$0x0] =	vst v0  }
0x163: {  	v14 =	vor.u32 $0x19, v45;
	[tilespmem:s9+$0x0] =	vst v2  }
0x164: {  	v16 =	vor.u32 $0x18, v45;
	v63 =	vld.idx.msk [tilespmem:v1+s5+$0x0], $0xffff  }
0x165: {  	v18 =	vor.u32 $0x17, v45;
	v0 =	vld.idx.msk [tilespmem:v3+s5+$0x0], $0xffff  }
0x166: {  	v20 =	vor.u32 $0x16, v45;
	v9 =	vld.idx.msk [tilespmem:v10+s5+$0x0], $0xffff  }
0x167: {  	v22 =	vor.u32 $0x15, v45;
	v11 =	vld.idx.msk [tilespmem:v12+s5+$0x0], $0xffff  }
0x168: {  	v24 =	vor.u32 $0x14, v45;
	v13 =	vld.idx.msk [tilespmem:v14+s5+$0x0], $0xffff  }
0x169: {  	v26 =	vor.u32 $0x13, v45;
	v15 =	vld.idx.msk [tilespmem:v16+s5+$0x0], $0xffff  }
0x16a: {  	v28 =	vor.u32 $0x12, v45;
	v17 =	vld.idx.msk [tilespmem:v18+s5+$0x0], $0xffff  }
0x16b: {  	v30 =	vor.u32 $0x11, v45;
	v19 =	vld.idx.msk [tilespmem:v20+s5+$0x0], $0xffff  }
0x16c: {  	v32 =	vor.u32 $0x10, v45;
	v21 =	vld.idx.msk [tilespmem:v22+s5+$0x0], $0xffff  }
0x16d: {  	v34 =	vor.u32 $0xF, v45;
	v23 =	vld.idx.msk [tilespmem:v24+s5+$0x0], $0xffff  }
0x16e: {  	v36 =	vor.u32 $0xE, v45;
	v25 =	vld.idx.msk [tilespmem:v26+s5+$0x0], $0xffff  }
0x16f: {  	v6 =	vor.u32 $0x1D, v45;
	v27 =	vld.idx.msk [tilespmem:v28+s5+$0x0], $0xffff  }
0x170: {  	v38 =	vor.u32 $0xD, v45;
	v29 =	vld.idx.msk [tilespmem:v30+s5+$0x0], $0xffff  }
0x171: {  	v40 =	vor.u32 $0xC, v45;
	v31 =	vld.idx.msk [tilespmem:v32+s5+$0x0], $0xffff  }
0x172: {  	v42 =	vor.u32 $0xB, v45;
	v33 =	vld.idx.msk [tilespmem:v34+s5+$0x0], $0xffff  }
0x173: {  	v44 =	vor.u32 $0xA, v45;
	v35 =	vld.idx.msk [tilespmem:v36+s5+$0x0], $0xffff  }
0x174: {  	v8 =	vor.u32 $0x1C, v45;
	[tilespmem:$0x1FFC0] =	vst v0;
	v0 =	vld.idx.msk [tilespmem:v6+s5+$0x0], $0xffff  }
0x175: {  	v47 =	vor.u32 $0x9, v45;
	v37 =	vld.idx.msk [tilespmem:v38+s5+$0x0], $0xffff  }
0x176: {  	v49 =	vor.u32 $0x8, v45;
	v39 =	vld.idx.msk [tilespmem:v40+s5+$0x0], $0xffff  }
0x177: {  	v51 =	vor.u32 $0x7, v45;
	v41 =	vld.idx.msk [tilespmem:v42+s5+$0x0], $0xffff  }
0x178: {  	v53 =	vor.u32 $0x6, v45;
	v43 =	vld.idx.msk [tilespmem:v44+s5+$0x0], $0xffff  }
0x179: {  	p0 =	sne.s32 s25, $0x1F0;
	v55 =	vor.u32 $0x5, v45;
	[tilespmem:$0x1FFD0] =	vst v0;
	v0 =	vld.idx.msk [tilespmem:v8+s5+$0x0], $0xffff  }
.Ltmp0:
0x17a: {  	v46 =	vld.idx.msk [tilespmem:v47+s5+$0x0], $0xffff;
	(pc) =	sbr.rel @p0 .LBB2_2-.Ltmp0, $4  }
0x17b: {  	v48 =	vld.idx.msk [tilespmem:v49+s5+$0x0], $0xffff  }
0x17c: {  	v50 =	vld.idx.msk [tilespmem:v51+s5+$0x0], $0xffff  }
0x17d: {  	v56 =	vor.u32 $0x4, v45;
	v52 =	vld.idx.msk [tilespmem:v53+s5+$0x0], $0xffff  }
0x17e: {  	s25 =	sadd.s32 $0x10, s25;
	v57 =	vor.u32 $0x3, v45;
	v58 =	vor.u32 $0x2, v45;
	v59 =	vor.u32 $0x1, v45;
	v54 =	vld.idx.msk [tilespmem:v55+s5+$0x0], $0xffff;
	[tilespmem:$0x1FFE0] =	vst v0  }
0x17f: {  	_ =	sdelay $0x3  }
0x180: {  	v0 =	vld.idx.msk [tilespmem:v58+s5+$0x0], $0xffff  }
0x181: {  	v2 =	vld.idx.msk [tilespmem:v59+s5+$0x0], $0xffff  }
0x182: {  	v4 =	vld.idx.msk [tilespmem:v45+s5+$0x0], $0xffff  }
0x183: {  	v5 =	vld.idx.msk [tilespmem:v45+s1+$0x0], $0xffff  }
0x184: {  	v7 =	vld.idx.msk [tilespmem:v45+s6+$0x0], $0xffff  }
0x185: {  	v45 =	vld.idx.msk [tilespmem:v59+s1+$0x0], $0xffff  }
0x186: {  	v59 =	vld.idx.msk [tilespmem:v59+s6+$0x0], $0xffff  }
0x187: {  	v60 =	vld.idx.msk [tilespmem:v58+s1+$0x0], $0xffff  }
0x188: {  	v58 =	vld.idx.msk [tilespmem:v58+s6+$0x0], $0xffff  }
0x189: {  	v61 =	vld.idx.msk [tilespmem:v57+s5+$0x0], $0xffff  }
0x18a: {  	v62 =	vld.idx.msk [tilespmem:v57+s1+$0x0], $0xffff  }
0x18b: {  	v4 =	vmul.f32 v4, v5;
	v5 =	vmul.f32 v7, v5;
	v7 =	vld.idx.msk [tilespmem:v57+s6+$0x0], $0xffff  }
0x18c: {  	v57 =	vld.idx.msk [tilespmem:v56+s5+$0x0], $0xffff  }
0x18d: {  	v2 =	vmul.f32 v2, v45;
	v45 =	vmul.f32 v59, v45;
	v59 =	vld.idx.msk [tilespmem:v56+s1+$0x0], $0xffff;
	v4 =	vadd.f32 $0.0e+00, v4  }
0x18e: {  	v0 =	vmul.f32 v0, v60;
	v60 =	vmul.f32 v58, v60;
	v58 =	vld.idx.msk [tilespmem:v53+s6+$0x0], $0xffff  }
0x18f: {  	v5 =	vadd.f32 $0.0e+00, v5;
	v2 =	vadd.f32 v2, v4;
	v4 =	vld.idx.msk [tilespmem:v56+s6+$0x0], $0xffff  }
0x190: {  	v56 =	vld.idx.msk [tilespmem:v55+s1+$0x0], $0xffff  }
0x191: {  	v5 =	vadd.f32 v45, v5;
	v45 =	vld.idx.msk [tilespmem:v53+s1+$0x0], $0xffff  }
0x192: {  	v61 =	vmul.f32 v61, v62;
	v7 =	vmul.f32 v7, v62;
	v62 =	vld.idx.msk [tilespmem:v51+s6+$0x0], $0xffff  }
0x193: {  	v0 =	vadd.f32 v0, v2;
	v2 =	vld.idx.msk [tilespmem:v55+s6+$0x0], $0xffff  }
0x194: {  	v5 =	vadd.f32 v60, v5;
	v55 =	vld.idx.msk [tilespmem:v40+s6+$0x0], $0xffff  }
0x195: {  	v60 =	vmul.f32 v57, v59;
	v0 =	vadd.f32 v61, v0;
	v61 =	vld.idx.msk [tilespmem:v51+s1+$0x0], $0xffff  }
0x196: {  	v5 =	vadd.f32 v7, v5;
	v51 =	vld.idx.msk [tilespmem:v42+s1+$0x0], $0xffff;
	v4 =	vmul.f32 v4, v59  }
0x197: {  	v54 =	vmul.f32 v54, v56;
	v57 =	vmul.f32 v58, v45;
	v58 =	vld.idx.msk [tilespmem:v47+s1+$0x0], $0xffff;
	v0 =	vadd.f32 v60, v0  }
0x198: {  	v4 =	vadd.f32 v4, v5;
	v2 =	vmul.f32 v2, v56;
	v5 =	vld.idx.msk [tilespmem:v49+s1+$0x0], $0xffff  }
0x199: {  	v52 =	vmul.f32 v52, v45;
	v56 =	vld.idx.msk [tilespmem:v49+s6+$0x0], $0xffff;
	v0 =	vadd.f32 v54, v0  }
0x19a: {  	v59 =	vld.idx.msk [tilespmem:v47+s6+$0x0], $0xffff;
	v2 =	vadd.f32 v2, v4  }
0x19b: {  	v45 =	vld.idx.msk [tilespmem:v34+s6+$0x0], $0xffff;
	v50 =	vmul.f32 v50, v61;
	v0 =	vadd.f32 v52, v0  }
0x19c: {  	v60 =	vmul.f32 v62, v61;
	v61 =	vld.idx.msk [tilespmem:v44+s1+$0x0], $0xffff;
	v2 =	vadd.f32 v57, v2  }
0x19d: {  	v62 =	vld.idx.msk [tilespmem:v44+s6+$0x0], $0xffff;
	v0 =	vadd.f32 v50, v0;
	v48 =	vmul.f32 v48, v5  }
0x19e: {  	v47 =	vld.idx.msk [tilespmem:v32+s1+$0x0], $0xffff;
	v50 =	vmul.f32 v56, v5;
	v2 =	vadd.f32 v60, v2  }
0x19f: {  	v52 =	vld.idx.msk [tilespmem:v42+s6+$0x0], $0xffff;
	v46 =	vmul.f32 v46, v58;
	v0 =	vadd.f32 v48, v0  }
0x1a0: {  	v54 =	vld.idx.msk [tilespmem:v40+s1+$0x0], $0xffff;
	v53 =	vmul.f32 v59, v58;
	v2 =	vadd.f32 v50, v2  }
0x1a1: {  	v44 =	vld.idx.msk [tilespmem:v34+s1+$0x0], $0xffff;
	v43 =	vmul.f32 v43, v61;
	v0 =	vadd.f32 v46, v0  }
0x1a2: {  	v57 =	vld.idx.msk [tilespmem:v38+s1+$0x0], $0xffff;
	v56 =	vmul.f32 v62, v61;
	v2 =	vadd.f32 v53, v2  }
0x1a3: {  	v41 =	vmul.f32 v41, v51;
	v58 =	vld.idx.msk [tilespmem:v38+s6+$0x0], $0xffff;
	v0 =	vadd.f32 v43, v0  }
0x1a4: {  	v60 =	vld.idx.msk [tilespmem:v36+s1+$0x0], $0xffff;
	v59 =	vmul.f32 v52, v51;
	v2 =	vadd.f32 v56, v2  }
0x1a5: {  	v39 =	vmul.f32 v39, v54;
	v61 =	vld.idx.msk [tilespmem:v36+s6+$0x0], $0xffff;
	v0 =	vadd.f32 v41, v0  }
0x1a6: {  	v42 =	vld.idx.msk [tilespmem:v14+s6+$0x0], $0xffff;
	v62 =	vmul.f32 v55, v54;
	v2 =	vadd.f32 v59, v2  }
0x1a7: {  	v38 =	vld.idx.msk [tilespmem:v16+s1+$0x0], $0xffff;
	v37 =	vmul.f32 v37, v57;
	v0 =	vadd.f32 v39, v0  }
0x1a8: {  	v48 =	vld.idx.msk [tilespmem:v32+s6+$0x0], $0xffff;
	v46 =	vmul.f32 v58, v57;
	v2 =	vadd.f32 v62, v2  }
0x1a9: {  	v54 =	vld.idx.msk [tilespmem:v28+s6+$0x0], $0xffff;
	v35 =	vmul.f32 v35, v60;
	v0 =	vadd.f32 v37, v0  }
0x1aa: {  	v50 =	vld.idx.msk [tilespmem:v30+s1+$0x0], $0xffff;
	v49 =	vmul.f32 v61, v60;
	v2 =	vadd.f32 v46, v2  }
0x1ab: {  	v33 =	vmul.f32 v33, v44;
	v51 =	vld.idx.msk [tilespmem:v30+s6+$0x0], $0xffff;
	v0 =	vadd.f32 v35, v0  }
0x1ac: {  	v52 =	vmul.f32 v45, v44;
	v53 =	vld.idx.msk [tilespmem:v28+s1+$0x0], $0xffff;
	v2 =	vadd.f32 v49, v2  }
0x1ad: {  	v31 =	vmul.f32 v31, v47;
	v32 =	vld.idx.msk [tilespmem:v20+s1+$0x0], $0xffff;
	v0 =	vadd.f32 v33, v0  }
0x1ae: {  	v55 =	vmul.f32 v48, v47;
	v56 =	vld.idx.msk [tilespmem:v26+s1+$0x0], $0xffff;
	v2 =	vadd.f32 v52, v2  }
0x1af: {  	v57 =	vld.idx.msk [tilespmem:v26+s6+$0x0], $0xffff;
	v29 =	vmul.f32 v29, v50;
	v0 =	vadd.f32 v31, v0  }
0x1b0: {  	v58 =	vmul.f32 v51, v50;
	v59 =	vld.idx.msk [tilespmem:v24+s1+$0x0], $0xffff;
	v2 =	vadd.f32 v55, v2  }
0x1b1: {  	v60 =	vld.idx.msk [tilespmem:v24+s6+$0x0], $0xffff;
	v27 =	vmul.f32 v27, v53;
	v0 =	vadd.f32 v29, v0  }
0x1b2: {  	v61 =	vmul.f32 v54, v53;
	v62 =	vld.idx.msk [tilespmem:v22+s1+$0x0], $0xffff;
	v2 =	vadd.f32 v58, v2  }
0x1b3: {  	v30 =	vld.idx.msk [tilespmem:v22+s6+$0x0], $0xffff;
	v25 =	vmul.f32 v25, v56;
	v0 =	vadd.f32 v27, v0  }
0x1b4: {  	v36 =	vld.idx.msk [tilespmem:v18+s6+$0x0], $0xffff;
	v31 =	vmul.f32 v57, v56;
	v2 =	vadd.f32 v61, v2  }
0x1b5: {  	v23 =	vmul.f32 v23, v59;
	v33 =	vld.idx.msk [tilespmem:v20+s6+$0x0], $0xffff;
	v0 =	vadd.f32 v25, v0  }
0x1b6: {  	v34 =	vmul.f32 v60, v59;
	v35 =	vld.idx.msk [tilespmem:v18+s1+$0x0], $0xffff;
	v2 =	vadd.f32 v31, v2  }
0x1b7: {  	v44 =	vld.idx.msk [tilespmem:v12+s1+$0x0], $0xffff;
	v21 =	vmul.f32 v21, v62;
	v0 =	vadd.f32 v23, v0  }
0x1b8: {  	v45 =	vld.idx.msk [tilespmem:v12+s6+$0x0], $0xffff;
	v37 =	vmul.f32 v30, v62;
	v2 =	vadd.f32 v34, v2  }
0x1b9: {  	v19 =	vmul.f32 v19, v32;
	v39 =	vld.idx.msk [tilespmem:v16+s6+$0x0], $0xffff;
	v0 =	vadd.f32 v21, v0  }
0x1ba: {  	v41 =	vld.idx.msk [tilespmem:v14+s1+$0x0], $0xffff;
	v40 =	vmul.f32 v33, v32;
	v2 =	vadd.f32 v37, v2  }
0x1bb: {  	v47 =	vld.idx.msk [tilespmem:v10+s1+$0x0], $0xffff;
	v17 =	vmul.f32 v17, v35;
	v0 =	vadd.f32 v19, v0  }
0x1bc: {  	v48 =	vld.idx.msk [tilespmem:v10+s6+$0x0], $0xffff;
	v43 =	vmul.f32 v36, v35;
	v2 =	vadd.f32 v40, v2  }
0x1bd: {  	v15 =	vmul.f32 v15, v38;
	v50 =	vld.idx.msk [tilespmem:v8+s1+$0x0], $0xffff;
	v0 =	vadd.f32 v17, v0  }
0x1be: {  	v51 =	vld.idx.msk [tilespmem:v8+s6+$0x0], $0xffff;
	v46 =	vmul.f32 v39, v38;
	v2 =	vadd.f32 v43, v2  }
0x1bf: {  	v53 =	vld.idx.msk [tilespmem:v6+s1+$0x0], $0xffff;
	v13 =	vmul.f32 v13, v41;
	v0 =	vadd.f32 v15, v0  }
0x1c0: {  	v49 =	vmul.f32 v42, v41;
	v57 =	vld [tilespmem:$0x1FFE0];
	v2 =	vadd.f32 v46, v2  }
0x1c1: {  	v11 =	vmul.f32 v11, v44;
	v54 =	vld.idx.msk [tilespmem:v6+s6+$0x0], $0xffff;
	v0 =	vadd.f32 v13, v0  }
0x1c2: {  	v60 =	vld [tilespmem:$0x1FFD0];
	v52 =	vmul.f32 v45, v44;
	v2 =	vadd.f32 v49, v2  }
0x1c3: {  	v9 =	vmul.f32 v9, v47;
	v62 =	vld [tilespmem:$0x1FFC0];
	v0 =	vadd.f32 v11, v0  }
0x1c4: {  	v56 =	vld.idx.msk [tilespmem:v3+s1+$0x0], $0xffff;
	v55 =	vmul.f32 v48, v47;
	v2 =	vadd.f32 v52, v2  }
0x1c5: {  	v3 =	vld.idx.msk [tilespmem:v3+s6+$0x0], $0xffff;
	v0 =	vadd.f32 v9, v0;
	v9 =	vmul.f32 v57, v50  }
0x1c6: {  	v59 =	vld.idx.msk [tilespmem:v1+s1+$0x0], $0xffff;
	v58 =	vmul.f32 v51, v50;
	v2 =	vadd.f32 v55, v2  }
0x1c7: {  	v1 =	vld.idx.msk [tilespmem:v1+s6+$0x0], $0xffff;
	v8 =	vmul.f32 v60, v53;
	v0 =	vadd.f32 v9, v0  }
0x1c8: {  	v61 =	vmul.f32 v54, v53;
	v2 =	vadd.f32 v58, v2  }
0x1c9: {  	v5 =	vmul.f32 v62, v56;
	v0 =	vadd.f32 v8, v0  }
0x1ca: {  	v3 =	vmul.f32 v3, v56;
	v2 =	vadd.f32 v61, v2  }
0x1cb: {  	v63 =	vmul.f32 v63, v59;
	v0 =	vadd.f32 v5, v0  }
0x1cc: {  	v1 =	vmul.f32 v1, v59;
	v2 =	vadd.f32 v3, v2  }
0x1cd: {  	v0 =	vadd.f32 v63, v0  }
0x1ce: {  	s24 =	sadd.s32 $0x10, s24;
	v1 =	vadd.f32 v1, v2  }
0x1cf: {  	s9 =	sadd.s32 $0x10, s9;
	[tilespmem:s24+$0x0] =	vst v0  }
0x1d0: {  	[tilespmem:s9+$0x0] =	vst v1  }
0x1d1: {  	[hbm4b:s17+s2] =	stream.linear.scatter [tilespmem:s21], [sflag:$0x2], $0x200, $0x38;
	[tilespmem:$0xCA00] =	vst v63  }
0x1d2: {  	s8 =	sadd.s32 $0x1, s8;
	_ =	swait.ge [sflag:s20], $0x200  }
0x1d3: {  	p0 =	sne.s32 s8, s19;
	[sflag:s20] =	ssyncset.done $0x0  }
.Ltmp1:
0x1d4: {  	[sflag:s20] =	ssyncadd.s32 $0xFFFFFE00;
	(pc) =	sbr.rel @p0 .LBB2_1-.Ltmp1, $4  }
0x1d5: {  	[hbm4b:s18+s2] =	stream.linear.scatter [tilespmem:s22], [sflag:$0x2], $0x200, $0x38;
	[tilespmem:$0xCA00] =	vst v63  }
0x1d6: {  	_ =	swait.ge [sflag:s20], $0x200  }
0x1d7: {  	[sflag:s20] =	ssyncset.done $0x0  }
0x1d8: {  	v0 =	vld [tilespmem:$0x1FFF0];
	[sflag:s20] =	ssyncadd.s32 $0xFFFFFE00  }
0x1d9: {  	_ =	sfence.sel $0x180000  }
0x1da: {  	[bflag:$0x0] =	sbarrier.arrive $0xFFFF  }
0x1db: {  	_ =	strace $0x90000047  }
0x1dc: {  	s0 =	stileid.u32;
	[bflag:$0x2] =	sbarrier.arrive $0xFFFF  }
0x1dd: {  	p0 =	sne.s32 s0, $0x0;
	s0 =	rddreg [dreg:$0x6]  }
0x1de: {  	s0 =	sadd.s32 @!p0 $0x100000, s0  }
0x1df: {  	[sflag:s0] =	ssyncadd.tile.s32 @!p0 $0x1;
	_ =	shalt  }
.Lfunc_end2:
_tile_overlayer_lowered:
.L_overlay_start_2:
0x1e0: {  	(tag) =	ssettag $0x2  }
0x1e1: {  	s0 =	rddreg [dreg:$0x0];
	s2 =	stileid.u32  }
0x1e2: {  	s1 =	rddreg [dreg:$0x1];
	p0 =	sne.s32 s2, $0x0  }
0x1e3: {  	s3 =	rddreg [dreg:$0x2];
	[bflag:$0x3] =	sbarrier.arrive $0xFFFF;
	s2 =	simm.s32 @!p0 $0x1C02  }
0x1e4: {  	[timem:s3], [sflag:s2] =	dma.local @!p0 [hbm:s0], s1  }
0x1e5: {  	s0 =	simm.s32 @!p0 $0x2  }
0x1e6: {  	_ =	swait.ge @!p0 [sflag:s0], s1  }
0x1e7: {  	s1 =	ssub.s32 @!p0 $0x0, s1;
	[sflag:s0] =	ssyncset.done @!p0 $0x0  }
0x1e8: {  	[sflag:s0] =	ssyncadd.s32 @!p0 s1  }
0x1e9: {  	[bflag:$0x3] =	sbarrier.arrive $0xFFFF  }
0x1ea: {  	_ =	shalt  }

</sc_bundles>
